<compile_context>
chip_gen: v7x
topology: tpu7x:2x2x1
jax: 0.10.2.dev20260603
libtpu: 0.0.44.dev20260713+nightly
codegen_flags: <defaults>
</compile_context>

<pallas_src>
import functools

import jax
import jax.numpy as jnp
from jax import lax
from jax.experimental import pallas as pl
from jax.experimental.pallas import tpu as pltpu
from jax.experimental.pallas import tpu_sc as plsc

_NC = 2
_NS = 16
_NW = _NC * _NS

_BT = 256
_CH = 128


def _scores_argmax_body(hr_ref, hi_ref, w1_ref, w2_ref, w3n_ref, idx_ref):
    hr = hr_ref[...]
    hi = hi_ref[...]
    d = hr.shape[0] * hr.shape[1]
    hrt = hr.reshape(d, hr.shape[2])
    hit = hi.reshape(d, hi.shape[2])
    pa = jnp.dot(w1_ref[...], hrt + hit, preferred_element_type=jnp.float32)
    pb = jnp.dot(w2_ref[...], hit, preferred_element_type=jnp.float32)
    pc = jnp.dot(w3n_ref[...], hrt, preferred_element_type=jnp.float32)
    re = pa - pb
    im = pa + pc
    s = re * re + im * im
    idx_ref[0, 0, :] = jnp.argmax(s, axis=0).astype(jnp.int32)


def _tc_scores_argmax(hrt, hit, w1, w2, w3n, nb, tile0):
    s_dim, v_dim, b = hrt.shape
    k_codes = w1.shape[0]
    d = s_dim * v_dim
    wspec = pl.BlockSpec((k_codes, d), lambda i: (0, 0))
    out = pl.pallas_call(
        _scores_argmax_body,
        grid=(nb,),
        in_specs=[
            pl.BlockSpec((s_dim, v_dim, _BT), lambda i: (0, 0, i + tile0)),
            pl.BlockSpec((s_dim, v_dim, _BT), lambda i: (0, 0, i + tile0)),
            wspec, wspec, wspec,
        ],
        out_specs=pl.BlockSpec((1, 1, _BT), lambda i: (i, 0, 0)),
        out_shape=jax.ShapeDtypeStruct((nb, 1, _BT), jnp.int32),
    )(hrt, hit, w1, w2, w3n)
    return out.reshape(nb * _BT)


def _sc_gather(table, idx2, b, d_pad, d_out):
    rows_per_w = b // _NW
    chunks = rows_per_w // _CH
    mesh = plsc.VectorSubcoreMesh(core_axis_name="c", subcore_axis_name="s")

    @functools.partial(
        pl.kernel,
        mesh=mesh,
        out_type=jax.ShapeDtypeStruct((b, d_pad), jnp.float32),
        scratch_types=[
            pltpu.VMEM((chunks, _CH), jnp.int32),
            pltpu.VMEM((3, _CH, d_pad), jnp.float32),
            pltpu.SemaphoreType.DMA,
            pltpu.SemaphoreType.DMA,
        ],
    )
    def gather_kernel(table_hbm, idx_hbm, out_hbm, idx_v, rows_v, gsem, osem):
        wid = lax.axis_index("s") * _NC + lax.axis_index("c")
        base = wid * rows_per_w
        pltpu.sync_copy(idx_hbm.at[pl.ds(wid * chunks, chunks)], idx_v)
        gathers = [None] * chunks
        outs = [None] * chunks
        waited = set()
        gathers[0] = pltpu.async_copy(
            table_hbm.at[idx_v.at[0]], rows_v.at[0], gsem)
        for c in range(chunks):
            if c + 1 < chunks:
                if c + 1 >= 3:
                    outs[c - 2].wait()
                    waited.add(c - 2)
                gathers[c + 1] = pltpu.async_copy(
                    table_hbm.at[idx_v.at[c + 1]],
                    rows_v.at[(c + 1) % 3], gsem)
            gathers[c].wait()
            outs[c] = pltpu.async_copy(
                rows_v.at[c % 3], out_hbm.at[pl.ds(base + c * _CH, _CH)],
                osem)
        for c in range(chunks):
            if c not in waited:
                outs[c].wait()

    return gather_kernel(table, idx2)


def kernel(h_est_real, h_est_imag, codebook_real, codebook_imag):
    b, v, s = h_est_real.shape
    k_codes = codebook_real.shape[0]
    d = v * s

    hrt = h_est_real.transpose(2, 1, 0)
    hit = h_est_imag.transpose(2, 1, 0)
    crf = codebook_real.transpose(0, 2, 1).reshape(k_codes, d)
    cif = codebook_imag.transpose(0, 2, 1).reshape(k_codes, d)
    w1 = crf
    w2 = crf - cif
    w3n = -(crf + cif)

    d_pad = 2 * _CH
    table = jnp.stack([codebook_real, codebook_imag], axis=-1)
    table = table.reshape(k_codes, 2 * d)
    table = jnp.pad(table, ((0, 0), (0, d_pad - 2 * d)))

    nb = b // _BT
    idx = _tc_scores_argmax(hrt, hit, w1, w2, w3n, nb, 0)
    idx2 = idx.reshape(b // _CH, _CH)
    rows = _sc_gather(table, idx2, b, d_pad, 2 * d)
    return rows[:, : 2 * d].reshape(b, v, s, 2)

# --- scband reference (transcript-rebuilt; emitter-appended) ---
"""Pipeline reference for scband-quantized-csi-feedback-4999341933015 (READ-ONLY COPY).

The authoritative reference and input builder live on the scoring server;
editing this copy changes nothing except your own understanding.
"""

import jax, jax.numpy as jnp
import numpy as np


def setup_inputs(seed: int = 0) -> dict:
    key = jax.random.key(seed)
    k1, k2, k3, k4 = jax.random.split(key, 4)
    B, V, S, K = 16384, 8, 12, 1024
    h_est_real = jax.random.normal(k1, (B, V, S), dtype=jnp.float32)
    h_est_imag = jax.random.normal(k2, (B, V, S), dtype=jnp.float32)
    # Learned/random RVQ codebook, per __init__: complex gaussian (K, VectorLength, 12),
    # normalized along the vector axis (axis=1) with the complex 2-norm.
    cr = jax.random.normal(k3, (K, V, S), dtype=jnp.float32)
    ci = jax.random.normal(k4, (K, V, S), dtype=jnp.float32)
    nrm = jnp.sqrt(jnp.sum(cr ** 2 + ci ** 2, axis=1, keepdims=True))
    cr = cr / nrm
    ci = ci / nrm
    return {"h_est_real": h_est_real, "h_est_imag": h_est_imag,
            "codebook_real": cr, "codebook_imag": ci}


def reference(h_est_real, h_est_imag, codebook_real, codebook_imag):
    # RVQ CSI feedback: select, for each channel-estimate vector, the codebook
    # entry with maximum squared correlation magnitude (max-correlation
    # codebook_selection_method), then emit the quantized codeword.
    h = h_est_real + 1j * h_est_imag              # [B, V, S] complex
    cb = codebook_real + 1j * codebook_imag       # [K, V, S] complex, unit-norm along V
    # correlation scores between every input vector and every codeword
    corr = jnp.einsum('kvs,bvs->bk', jnp.conj(cb), h)   # [B, K] complex
    scores = jnp.real(corr) ** 2 + jnp.imag(corr) ** 2  # |corr|^2
    idx = jnp.argmax(scores, axis=-1)                   # [B] selected PMI / codeword ids
    quant = jnp.take(cb, idx, axis=0)                   # [B, V, S] quantized CSI
    out = jnp.stack([jnp.real(quant), jnp.imag(quant)], axis=-1)  # [B, V, S, 2]
    return out

if __name__ == "__main__":
    import jax
    _d = setup_inputs()
    print(jax.jit(kernel)(*tuple(_d.values())))

</pallas_src>

<mosaic_0001>
#map = affine_map<(d0, d1) -> (0, 0)>
module attributes {stable_mosaic.version = 14 : i64} {
  func.func @gather_kernel(%arg0: i32, %arg1: i32, %arg2: memref<1024x256xf32, #tpu.memory_space<hbm>>, %arg3: memref<128x128xi32, #tpu.memory_space<hbm>>, %arg4: memref<16384x256xf32, #tpu.memory_space<hbm>>, %arg5: memref<4x128xi32, #tpu.memory_space<vmem>>, %arg6: memref<3x128x256xf32, #tpu.memory_space<vmem>>, %arg7: memref<!tpu.dma_semaphore, #tpu.memory_space<semaphore_mem>>, %arg8: memref<!tpu.dma_semaphore, #tpu.memory_space<semaphore_mem>>) attributes {dimension_semantics = [#tpu.dimension_semantics<core_parallel>, #tpu.dimension_semantics<subcore_parallel>], iteration_bounds = array<i64: 2, 16>, scalar_prefetch = 0 : i64, scratch_operands = 4 : i64, tpu.core_type = #tpu.core_type<sc_vector_subcore>, window_params = [{transform_indices = #map}, {transform_indices = #map}, {transform_indices = #map}]} {
    %mul3A = arith.constant 2 : i32
    %mul3A_0 = arith.muli %arg1, %mul3A : i32
    %add3A = arith.addi %mul3A_0, %arg0 : i32
    %mul3A_1 = arith.constant 512 : i32
    %mul3A_2 = arith.muli %add3A, %mul3A_1 : i32
    %mul3A_3 = arith.constant 4 : i32
    %mul3A_4 = arith.muli %add3A, %mul3A_3 : i32
    "tpu.region"() ({
      %run_scoped3A = tpu.sem_alloc : memref<!tpu.dma_semaphore, #tpu.memory_space<semaphore_mem>>
      %dma_start3A_211 = arith.constant 0 : i32
      %dma_start3A_212 = tpu.memref_slice %arg3[%mul3A_4, %dma_start3A_211] : memref<128x128xi32, #tpu.memory_space<hbm>> -> memref<4x128xi32, #tpu.memory_space<hbm>>
      %dma_start3A_213 = arith.constant 0 : i32
      %dma_start3A_214 = tpu.memref_slice %arg3[%mul3A_4, %dma_start3A_213] : memref<128x128xi32, #tpu.memory_space<hbm>> -> memref<4x128xi32, #tpu.memory_space<hbm>>
      tpu.enqueue_dma source(%dma_start3A_214 : memref<4x128xi32, #tpu.memory_space<hbm>>) target(%arg5 : memref<4x128xi32, #tpu.memory_space<vmem>>) target_semaphore(%run_scoped3A : memref<!tpu.dma_semaphore, #tpu.memory_space<semaphore_mem>>)
      %dma_wait3A_215 = arith.constant 0 : i32
      %dma_wait3A_216 = tpu.memref_slice %arg3[%mul3A_4, %dma_wait3A_215] : memref<128x128xi32, #tpu.memory_space<hbm>> -> memref<4x128xi32, #tpu.memory_space<hbm>>
      %dma_wait3A_217 = arith.constant 0 : i32
      %dma_wait3A_218 = tpu.memref_slice %arg3[%mul3A_4, %dma_wait3A_217] : memref<128x128xi32, #tpu.memory_space<hbm>> -> memref<4x128xi32, #tpu.memory_space<hbm>>
      tpu.wait_dma2 semaphore(%run_scoped3A : memref<!tpu.dma_semaphore, #tpu.memory_space<semaphore_mem>>) src(%dma_wait3A_218 : memref<4x128xi32, #tpu.memory_space<hbm>>) dst(%arg5 : memref<4x128xi32, #tpu.memory_space<vmem>>)
      tpu.yield
    }) : () -> ()
    %dma_start3A = arith.constant 0 : i32
    %dma_start3A_5 = arith.constant 0 : i32
    %dma_start3A_6 = arith.constant 0 : i32
    %dma_start3A_7 = arith.constant 0 : i32
    %dma_start3A_8 = tpu.memref_slice %arg6[%dma_start3A_5, %dma_start3A_6, %dma_start3A_7] : memref<3x128x256xf32, #tpu.memory_space<vmem>> -> memref<1x128x256xf32, #tpu.memory_space<vmem>>
    %dma_start3A_9 = tpu.memref_squeeze %dma_start3A_8 : memref<1x128x256xf32, #tpu.memory_space<vmem>> -> memref<128x256xf32, #tpu.memory_space<vmem>>
    %dma_start3A_10 = arith.constant 0 : i32
    %dma_start3A_11 = tpu.memref_slice %arg5[%dma_start3A, %dma_start3A_10] : memref<4x128xi32, #tpu.memory_space<vmem>> -> memref<1x128xi32, #tpu.memory_space<vmem>>
    %dma_start3A_12 = tpu.memref_squeeze %dma_start3A_11 : memref<1x128xi32, #tpu.memory_space<vmem>> -> memref<128xi32, #tpu.memory_space<vmem>>
    %dma_start3A_13 = arith.constant 0 : i32
    %dma_start3A_14 = arith.constant 0 : i32
    %dma_start3A_15 = tpu.memref_slice %arg2[%dma_start3A_13, %dma_start3A_14] : memref<1024x256xf32, #tpu.memory_space<hbm>> -> memref<1024x256xf32, #tpu.memory_space<hbm>>
    tpu.enqueue_indirect_dma source(%dma_start3A_15 : memref<1024x256xf32, #tpu.memory_space<hbm>>) target(%dma_start3A_9 : memref<128x256xf32, #tpu.memory_space<vmem>>) offsets(%dma_start3A_12 : memref<128xi32, #tpu.memory_space<vmem>>) semaphore(%arg7 : memref<!tpu.dma_semaphore, #tpu.memory_space<semaphore_mem>>)
    %dma_start3A_16 = arith.constant 1 : i32
    %dma_start3A_17 = arith.constant 1 : i32
    %dma_start3A_18 = arith.constant 0 : i32
    %dma_start3A_19 = arith.constant 0 : i32
    %dma_start3A_20 = tpu.memref_slice %arg6[%dma_start3A_17, %dma_start3A_18, %dma_start3A_19] : memref<3x128x256xf32, #tpu.memory_space<vmem>> -> memref<1x128x256xf32, #tpu.memory_space<vmem>>
    %dma_start3A_21 = tpu.memref_squeeze %dma_start3A_20 : memref<1x128x256xf32, #tpu.memory_space<vmem>> -> memref<128x256xf32, #tpu.memory_space<vmem>>
    %dma_start3A_22 = arith.constant 0 : i32
    %dma_start3A_23 = tpu.memref_slice %arg5[%dma_start3A_16, %dma_start3A_22] : memref<4x128xi32, #tpu.memory_space<vmem>> -> memref<1x128xi32, #tpu.memory_space<vmem>>
    %dma_start3A_24 = tpu.memref_squeeze %dma_start3A_23 : memref<1x128xi32, #tpu.memory_space<vmem>> -> memref<128xi32, #tpu.memory_space<vmem>>
    %dma_start3A_25 = arith.constant 0 : i32
    %dma_start3A_26 = arith.constant 0 : i32
    %dma_start3A_27 = tpu.memref_slice %arg2[%dma_start3A_25, %dma_start3A_26] : memref<1024x256xf32, #tpu.memory_space<hbm>> -> memref<1024x256xf32, #tpu.memory_space<hbm>>
    tpu.enqueue_indirect_dma source(%dma_start3A_27 : memref<1024x256xf32, #tpu.memory_space<hbm>>) target(%dma_start3A_21 : memref<128x256xf32, #tpu.memory_space<vmem>>) offsets(%dma_start3A_24 : memref<128xi32, #tpu.memory_space<vmem>>) semaphore(%arg7 : memref<!tpu.dma_semaphore, #tpu.memory_space<semaphore_mem>>)
    %dma_wait3A = arith.constant 0 : i32
    %dma_wait3A_28 = arith.constant 0 : i32
    %dma_wait3A_29 = arith.constant 0 : i32
    %dma_wait3A_30 = arith.constant 0 : i32
    %dma_wait3A_31 = tpu.memref_slice %arg6[%dma_wait3A_28, %dma_wait3A_29, %dma_wait3A_30] : memref<3x128x256xf32, #tpu.memory_space<vmem>> -> memref<1x128x256xf32, #tpu.memory_space<vmem>>
    %dma_wait3A_32 = tpu.memref_squeeze %dma_wait3A_31 : memref<1x128x256xf32, #tpu.memory_space<vmem>> -> memref<128x256xf32, #tpu.memory_space<vmem>>
    %dma_wait3A_33 = arith.constant 0 : i32
    %dma_wait3A_34 = tpu.memref_slice %arg5[%dma_wait3A, %dma_wait3A_33] : memref<4x128xi32, #tpu.memory_space<vmem>> -> memref<1x128xi32, #tpu.memory_space<vmem>>
    %dma_wait3A_35 = tpu.memref_squeeze %dma_wait3A_34 : memref<1x128xi32, #tpu.memory_space<vmem>> -> memref<128xi32, #tpu.memory_space<vmem>>
    %dma_wait3A_36 = arith.constant 0 : i32
    %dma_wait3A_37 = arith.constant 0 : i32
    %dma_wait3A_38 = tpu.memref_slice %arg2[%dma_wait3A_36, %dma_wait3A_37] : memref<1024x256xf32, #tpu.memory_space<hbm>> -> memref<1024x256xf32, #tpu.memory_space<hbm>>
    tpu.wait_indirect_dma semaphore(%arg7 : memref<!tpu.dma_semaphore, #tpu.memory_space<semaphore_mem>>) src(%dma_wait3A_38 : memref<1024x256xf32, #tpu.memory_space<hbm>>) dst(%dma_wait3A_32 : memref<128x256xf32, #tpu.memory_space<vmem>>)
    %add3A_39 = arith.constant 0 : i32
    %add3A_40 = arith.addi %mul3A_2, %add3A_39 : i32
    %dma_start3A_41 = arith.constant 0 : i32
    %dma_start3A_42 = arith.constant 0 : i32
    %dma_start3A_43 = arith.constant 0 : i32
    %dma_start3A_44 = tpu.memref_slice %arg6[%dma_start3A_41, %dma_start3A_42, %dma_start3A_43] : memref<3x128x256xf32, #tpu.memory_space<vmem>> -> memref<1x128x256xf32, #tpu.memory_space<vmem>>
    %dma_start3A_45 = tpu.memref_squeeze %dma_start3A_44 : memref<1x128x256xf32, #tpu.memory_space<vmem>> -> memref<128x256xf32, #tpu.memory_space<vmem>>
    %dma_start3A_46 = arith.constant 0 : i32
    %dma_start3A_47 = tpu.memref_slice %arg4[%add3A_40, %dma_start3A_46] : memref<16384x256xf32, #tpu.memory_space<hbm>> -> memref<128x256xf32, #tpu.memory_space<hbm>>
    %dma_start3A_48 = arith.constant 0 : i32
    %dma_start3A_49 = tpu.memref_slice %arg4[%add3A_40, %dma_start3A_48] : memref<16384x256xf32, #tpu.memory_space<hbm>> -> memref<128x256xf32, #tpu.memory_space<hbm>>
    %dma_start3A_50 = arith.constant 0 : i32
    %dma_start3A_51 = arith.constant 0 : i32
    %dma_start3A_52 = tpu.memref_slice %arg6[%dma_start3A_41, %dma_start3A_50, %dma_start3A_51] : memref<3x128x256xf32, #tpu.memory_space<vmem>> -> memref<1x128x256xf32, #tpu.memory_space<vmem>>
    %dma_start3A_53 = tpu.memref_squeeze %dma_start3A_52 : memref<1x128x256xf32, #tpu.memory_space<vmem>> -> memref<128x256xf32, #tpu.memory_space<vmem>>
    tpu.enqueue_dma source(%dma_start3A_53 : memref<128x256xf32, #tpu.memory_space<vmem>>) target(%dma_start3A_49 : memref<128x256xf32, #tpu.memory_space<hbm>>) target_semaphore(%arg8 : memref<!tpu.dma_semaphore, #tpu.memory_space<semaphore_mem>>)
    %dma_start3A_54 = arith.constant 2 : i32
    %dma_start3A_55 = arith.constant 2 : i32
    %dma_start3A_56 = arith.constant 0 : i32
    %dma_start3A_57 = arith.constant 0 : i32
    %dma_start3A_58 = tpu.memref_slice %arg6[%dma_start3A_55, %dma_start3A_56, %dma_start3A_57] : memref<3x128x256xf32, #tpu.memory_space<vmem>> -> memref<1x128x256xf32, #tpu.memory_space<vmem>>
    %dma_start3A_59 = tpu.memref_squeeze %dma_start3A_58 : memref<1x128x256xf32, #tpu.memory_space<vmem>> -> memref<128x256xf32, #tpu.memory_space<vmem>>
    %dma_start3A_60 = arith.constant 0 : i32
    %dma_start3A_61 = tpu.memref_slice %arg5[%dma_start3A_54, %dma_start3A_60] : memref<4x128xi32, #tpu.memory_space<vmem>> -> memref<1x128xi32, #tpu.memory_space<vmem>>
    %dma_start3A_62 = tpu.memref_squeeze %dma_start3A_61 : memref<1x128xi32, #tpu.memory_space<vmem>> -> memref<128xi32, #tpu.memory_space<vmem>>
    %dma_start3A_63 = arith.constant 0 : i32
    %dma_start3A_64 = arith.constant 0 : i32
    %dma_start3A_65 = tpu.memref_slice %arg2[%dma_start3A_63, %dma_start3A_64] : memref<1024x256xf32, #tpu.memory_space<hbm>> -> memref<1024x256xf32, #tpu.memory_space<hbm>>
    tpu.enqueue_indirect_dma source(%dma_start3A_65 : memref<1024x256xf32, #tpu.memory_space<hbm>>) target(%dma_start3A_59 : memref<128x256xf32, #tpu.memory_space<vmem>>) offsets(%dma_start3A_62 : memref<128xi32, #tpu.memory_space<vmem>>) semaphore(%arg7 : memref<!tpu.dma_semaphore, #tpu.memory_space<semaphore_mem>>)
    %dma_wait3A_66 = arith.constant 1 : i32
    %dma_wait3A_67 = arith.constant 1 : i32
    %dma_wait3A_68 = arith.constant 0 : i32
    %dma_wait3A_69 = arith.constant 0 : i32
    %dma_wait3A_70 = tpu.memref_slice %arg6[%dma_wait3A_67, %dma_wait3A_68, %dma_wait3A_69] : memref<3x128x256xf32, #tpu.memory_space<vmem>> -> memref<1x128x256xf32, #tpu.memory_space<vmem>>
    %dma_wait3A_71 = tpu.memref_squeeze %dma_wait3A_70 : memref<1x128x256xf32, #tpu.memory_space<vmem>> -> memref<128x256xf32, #tpu.memory_space<vmem>>
    %dma_wait3A_72 = arith.constant 0 : i32
    %dma_wait3A_73 = tpu.memref_slice %arg5[%dma_wait3A_66, %dma_wait3A_72] : memref<4x128xi32, #tpu.memory_space<vmem>> -> memref<1x128xi32, #tpu.memory_space<vmem>>
    %dma_wait3A_74 = tpu.memref_squeeze %dma_wait3A_73 : memref<1x128xi32, #tpu.memory_space<vmem>> -> memref<128xi32, #tpu.memory_space<vmem>>
    %dma_wait3A_75 = arith.constant 0 : i32
    %dma_wait3A_76 = arith.constant 0 : i32
    %dma_wait3A_77 = tpu.memref_slice %arg2[%dma_wait3A_75, %dma_wait3A_76] : memref<1024x256xf32, #tpu.memory_space<hbm>> -> memref<1024x256xf32, #tpu.memory_space<hbm>>
    tpu.wait_indirect_dma semaphore(%arg7 : memref<!tpu.dma_semaphore, #tpu.memory_space<semaphore_mem>>) src(%dma_wait3A_77 : memref<1024x256xf32, #tpu.memory_space<hbm>>) dst(%dma_wait3A_71 : memref<128x256xf32, #tpu.memory_space<vmem>>)
    %add3A_78 = arith.constant 128 : i32
    %add3A_79 = arith.addi %mul3A_2, %add3A_78 : i32
    %dma_start3A_80 = arith.constant 1 : i32
    %dma_start3A_81 = arith.constant 0 : i32
    %dma_start3A_82 = arith.constant 0 : i32
    %dma_start3A_83 = tpu.memref_slice %arg6[%dma_start3A_80, %dma_start3A_81, %dma_start3A_82] : memref<3x128x256xf32, #tpu.memory_space<vmem>> -> memref<1x128x256xf32, #tpu.memory_space<vmem>>
    %dma_start3A_84 = tpu.memref_squeeze %dma_start3A_83 : memref<1x128x256xf32, #tpu.memory_space<vmem>> -> memref<128x256xf32, #tpu.memory_space<vmem>>
    %dma_start3A_85 = arith.constant 0 : i32
    %dma_start3A_86 = tpu.memref_slice %arg4[%add3A_79, %dma_start3A_85] : memref<16384x256xf32, #tpu.memory_space<hbm>> -> memref<128x256xf32, #tpu.memory_space<hbm>>
    %dma_start3A_87 = arith.constant 0 : i32
    %dma_start3A_88 = tpu.memref_slice %arg4[%add3A_79, %dma_start3A_87] : memref<16384x256xf32, #tpu.memory_space<hbm>> -> memref<128x256xf32, #tpu.memory_space<hbm>>
    %dma_start3A_89 = arith.constant 0 : i32
    %dma_start3A_90 = arith.constant 0 : i32
    %dma_start3A_91 = tpu.memref_slice %arg6[%dma_start3A_80, %dma_start3A_89, %dma_start3A_90] : memref<3x128x256xf32, #tpu.memory_space<vmem>> -> memref<1x128x256xf32, #tpu.memory_space<vmem>>
    %dma_start3A_92 = tpu.memref_squeeze %dma_start3A_91 : memref<1x128x256xf32, #tpu.memory_space<vmem>> -> memref<128x256xf32, #tpu.memory_space<vmem>>
    tpu.enqueue_dma source(%dma_start3A_92 : memref<128x256xf32, #tpu.memory_space<vmem>>) target(%dma_start3A_88 : memref<128x256xf32, #tpu.memory_space<hbm>>) target_semaphore(%arg8 : memref<!tpu.dma_semaphore, #tpu.memory_space<semaphore_mem>>)
    %dma_wait3A_93 = arith.constant 0 : i32
    %dma_wait3A_94 = arith.constant 0 : i32
    %dma_wait3A_95 = arith.constant 0 : i32
    %dma_wait3A_96 = tpu.memref_slice %arg6[%dma_wait3A_93, %dma_wait3A_94, %dma_wait3A_95] : memref<3x128x256xf32, #tpu.memory_space<vmem>> -> memref<1x128x256xf32, #tpu.memory_space<vmem>>
    %dma_wait3A_97 = tpu.memref_squeeze %dma_wait3A_96 : memref<1x128x256xf32, #tpu.memory_space<vmem>> -> memref<128x256xf32, #tpu.memory_space<vmem>>
    %dma_wait3A_98 = arith.constant 0 : i32
    %dma_wait3A_99 = tpu.memref_slice %arg4[%add3A_40, %dma_wait3A_98] : memref<16384x256xf32, #tpu.memory_space<hbm>> -> memref<128x256xf32, #tpu.memory_space<hbm>>
    %dma_wait3A_100 = arith.constant 0 : i32
    %dma_wait3A_101 = tpu.memref_slice %arg4[%add3A_40, %dma_wait3A_100] : memref<16384x256xf32, #tpu.memory_space<hbm>> -> memref<128x256xf32, #tpu.memory_space<hbm>>
    %dma_wait3A_102 = arith.constant 0 : i32
    %dma_wait3A_103 = arith.constant 0 : i32
    %dma_wait3A_104 = tpu.memref_slice %arg6[%dma_wait3A_93, %dma_wait3A_102, %dma_wait3A_103] : memref<3x128x256xf32, #tpu.memory_space<vmem>> -> memref<1x128x256xf32, #tpu.memory_space<vmem>>
    %dma_wait3A_105 = tpu.memref_squeeze %dma_wait3A_104 : memref<1x128x256xf32, #tpu.memory_space<vmem>> -> memref<128x256xf32, #tpu.memory_space<vmem>>
    tpu.wait_dma2 semaphore(%arg8 : memref<!tpu.dma_semaphore, #tpu.memory_space<semaphore_mem>>) src(%dma_wait3A_105 : memref<128x256xf32, #tpu.memory_space<vmem>>) dst(%dma_wait3A_101 : memref<128x256xf32, #tpu.memory_space<hbm>>)
    %dma_start3A_106 = arith.constant 3 : i32
    %dma_start3A_107 = arith.constant 0 : i32
    %dma_start3A_108 = arith.constant 0 : i32
    %dma_start3A_109 = arith.constant 0 : i32
    %dma_start3A_110 = tpu.memref_slice %arg6[%dma_start3A_107, %dma_start3A_108, %dma_start3A_109] : memref<3x128x256xf32, #tpu.memory_space<vmem>> -> memref<1x128x256xf32, #tpu.memory_space<vmem>>
    %dma_start3A_111 = tpu.memref_squeeze %dma_start3A_110 : memref<1x128x256xf32, #tpu.memory_space<vmem>> -> memref<128x256xf32, #tpu.memory_space<vmem>>
    %dma_start3A_112 = arith.constant 0 : i32
    %dma_start3A_113 = tpu.memref_slice %arg5[%dma_start3A_106, %dma_start3A_112] : memref<4x128xi32, #tpu.memory_space<vmem>> -> memref<1x128xi32, #tpu.memory_space<vmem>>
    %dma_start3A_114 = tpu.memref_squeeze %dma_start3A_113 : memref<1x128xi32, #tpu.memory_space<vmem>> -> memref<128xi32, #tpu.memory_space<vmem>>
    %dma_start3A_115 = arith.constant 0 : i32
    %dma_start3A_116 = arith.constant 0 : i32
    %dma_start3A_117 = tpu.memref_slice %arg2[%dma_start3A_115, %dma_start3A_116] : memref<1024x256xf32, #tpu.memory_space<hbm>> -> memref<1024x256xf32, #tpu.memory_space<hbm>>
    tpu.enqueue_indirect_dma source(%dma_start3A_117 : memref<1024x256xf32, #tpu.memory_space<hbm>>) target(%dma_start3A_111 : memref<128x256xf32, #tpu.memory_space<vmem>>) offsets(%dma_start3A_114 : memref<128xi32, #tpu.memory_space<vmem>>) semaphore(%arg7 : memref<!tpu.dma_semaphore, #tpu.memory_space<semaphore_mem>>)
    %dma_wait3A_118 = arith.constant 2 : i32
    %dma_wait3A_119 = arith.constant 2 : i32
    %dma_wait3A_120 = arith.constant 0 : i32
    %dma_wait3A_121 = arith.constant 0 : i32
    %dma_wait3A_122 = tpu.memref_slice %arg6[%dma_wait3A_119, %dma_wait3A_120, %dma_wait3A_121] : memref<3x128x256xf32, #tpu.memory_space<vmem>> -> memref<1x128x256xf32, #tpu.memory_space<vmem>>
    %dma_wait3A_123 = tpu.memref_squeeze %dma_wait3A_122 : memref<1x128x256xf32, #tpu.memory_space<vmem>> -> memref<128x256xf32, #tpu.memory_space<vmem>>
    %dma_wait3A_124 = arith.constant 0 : i32
    %dma_wait3A_125 = tpu.memref_slice %arg5[%dma_wait3A_118, %dma_wait3A_124] : memref<4x128xi32, #tpu.memory_space<vmem>> -> memref<1x128xi32, #tpu.memory_space<vmem>>
    %dma_wait3A_126 = tpu.memref_squeeze %dma_wait3A_125 : memref<1x128xi32, #tpu.memory_space<vmem>> -> memref<128xi32, #tpu.memory_space<vmem>>
    %dma_wait3A_127 = arith.constant 0 : i32
    %dma_wait3A_128 = arith.constant 0 : i32
    %dma_wait3A_129 = tpu.memref_slice %arg2[%dma_wait3A_127, %dma_wait3A_128] : memref<1024x256xf32, #tpu.memory_space<hbm>> -> memref<1024x256xf32, #tpu.memory_space<hbm>>
    tpu.wait_indirect_dma semaphore(%arg7 : memref<!tpu.dma_semaphore, #tpu.memory_space<semaphore_mem>>) src(%dma_wait3A_129 : memref<1024x256xf32, #tpu.memory_space<hbm>>) dst(%dma_wait3A_123 : memref<128x256xf32, #tpu.memory_space<vmem>>)
    %add3A_130 = arith.constant 256 : i32
    %add3A_131 = arith.addi %mul3A_2, %add3A_130 : i32
    %dma_start3A_132 = arith.constant 2 : i32
    %dma_start3A_133 = arith.constant 0 : i32
    %dma_start3A_134 = arith.constant 0 : i32
    %dma_start3A_135 = tpu.memref_slice %arg6[%dma_start3A_132, %dma_start3A_133, %dma_start3A_134] : memref<3x128x256xf32, #tpu.memory_space<vmem>> -> memref<1x128x256xf32, #tpu.memory_space<vmem>>
    %dma_start3A_136 = tpu.memref_squeeze %dma_start3A_135 : memref<1x128x256xf32, #tpu.memory_space<vmem>> -> memref<128x256xf32, #tpu.memory_space<vmem>>
    %dma_start3A_137 = arith.constant 0 : i32
    %dma_start3A_138 = tpu.memref_slice %arg4[%add3A_131, %dma_start3A_137] : memref<16384x256xf32, #tpu.memory_space<hbm>> -> memref<128x256xf32, #tpu.memory_space<hbm>>
    %dma_start3A_139 = arith.constant 0 : i32
    %dma_start3A_140 = tpu.memref_slice %arg4[%add3A_131, %dma_start3A_139] : memref<16384x256xf32, #tpu.memory_space<hbm>> -> memref<128x256xf32, #tpu.memory_space<hbm>>
    %dma_start3A_141 = arith.constant 0 : i32
    %dma_start3A_142 = arith.constant 0 : i32
    %dma_start3A_143 = tpu.memref_slice %arg6[%dma_start3A_132, %dma_start3A_141, %dma_start3A_142] : memref<3x128x256xf32, #tpu.memory_space<vmem>> -> memref<1x128x256xf32, #tpu.memory_space<vmem>>
    %dma_start3A_144 = tpu.memref_squeeze %dma_start3A_143 : memref<1x128x256xf32, #tpu.memory_space<vmem>> -> memref<128x256xf32, #tpu.memory_space<vmem>>
    tpu.enqueue_dma source(%dma_start3A_144 : memref<128x256xf32, #tpu.memory_space<vmem>>) target(%dma_start3A_140 : memref<128x256xf32, #tpu.memory_space<hbm>>) target_semaphore(%arg8 : memref<!tpu.dma_semaphore, #tpu.memory_space<semaphore_mem>>)
    %dma_wait3A_145 = arith.constant 3 : i32
    %dma_wait3A_146 = arith.constant 0 : i32
    %dma_wait3A_147 = arith.constant 0 : i32
    %dma_wait3A_148 = arith.constant 0 : i32
    %dma_wait3A_149 = tpu.memref_slice %arg6[%dma_wait3A_146, %dma_wait3A_147, %dma_wait3A_148] : memref<3x128x256xf32, #tpu.memory_space<vmem>> -> memref<1x128x256xf32, #tpu.memory_space<vmem>>
    %dma_wait3A_150 = tpu.memref_squeeze %dma_wait3A_149 : memref<1x128x256xf32, #tpu.memory_space<vmem>> -> memref<128x256xf32, #tpu.memory_space<vmem>>
    %dma_wait3A_151 = arith.constant 0 : i32
    %dma_wait3A_152 = tpu.memref_slice %arg5[%dma_wait3A_145, %dma_wait3A_151] : memref<4x128xi32, #tpu.memory_space<vmem>> -> memref<1x128xi32, #tpu.memory_space<vmem>>
    %dma_wait3A_153 = tpu.memref_squeeze %dma_wait3A_152 : memref<1x128xi32, #tpu.memory_space<vmem>> -> memref<128xi32, #tpu.memory_space<vmem>>
    %dma_wait3A_154 = arith.constant 0 : i32
    %dma_wait3A_155 = arith.constant 0 : i32
    %dma_wait3A_156 = tpu.memref_slice %arg2[%dma_wait3A_154, %dma_wait3A_155] : memref<1024x256xf32, #tpu.memory_space<hbm>> -> memref<1024x256xf32, #tpu.memory_space<hbm>>
    tpu.wait_indirect_dma semaphore(%arg7 : memref<!tpu.dma_semaphore, #tpu.memory_space<semaphore_mem>>) src(%dma_wait3A_156 : memref<1024x256xf32, #tpu.memory_space<hbm>>) dst(%dma_wait3A_150 : memref<128x256xf32, #tpu.memory_space<vmem>>)
    %add3A_157 = arith.constant 384 : i32
    %add3A_158 = arith.addi %mul3A_2, %add3A_157 : i32
    %dma_start3A_159 = arith.constant 0 : i32
    %dma_start3A_160 = arith.constant 0 : i32
    %dma_start3A_161 = arith.constant 0 : i32
    %dma_start3A_162 = tpu.memref_slice %arg6[%dma_start3A_159, %dma_start3A_160, %dma_start3A_161] : memref<3x128x256xf32, #tpu.memory_space<vmem>> -> memref<1x128x256xf32, #tpu.memory_space<vmem>>
    %dma_start3A_163 = tpu.memref_squeeze %dma_start3A_162 : memref<1x128x256xf32, #tpu.memory_space<vmem>> -> memref<128x256xf32, #tpu.memory_space<vmem>>
    %dma_start3A_164 = arith.constant 0 : i32
    %dma_start3A_165 = tpu.memref_slice %arg4[%add3A_158, %dma_start3A_164] : memref<16384x256xf32, #tpu.memory_space<hbm>> -> memref<128x256xf32, #tpu.memory_space<hbm>>
    %dma_start3A_166 = arith.constant 0 : i32
    %dma_start3A_167 = tpu.memref_slice %arg4[%add3A_158, %dma_start3A_166] : memref<16384x256xf32, #tpu.memory_space<hbm>> -> memref<128x256xf32, #tpu.memory_space<hbm>>
    %dma_start3A_168 = arith.constant 0 : i32
    %dma_start3A_169 = arith.constant 0 : i32
    %dma_start3A_170 = tpu.memref_slice %arg6[%dma_start3A_159, %dma_start3A_168, %dma_start3A_169] : memref<3x128x256xf32, #tpu.memory_space<vmem>> -> memref<1x128x256xf32, #tpu.memory_space<vmem>>
    %dma_start3A_171 = tpu.memref_squeeze %dma_start3A_170 : memref<1x128x256xf32, #tpu.memory_space<vmem>> -> memref<128x256xf32, #tpu.memory_space<vmem>>
    tpu.enqueue_dma source(%dma_start3A_171 : memref<128x256xf32, #tpu.memory_space<vmem>>) target(%dma_start3A_167 : memref<128x256xf32, #tpu.memory_space<hbm>>) target_semaphore(%arg8 : memref<!tpu.dma_semaphore, #tpu.memory_space<semaphore_mem>>)
    %dma_wait3A_172 = arith.constant 1 : i32
    %dma_wait3A_173 = arith.constant 0 : i32
    %dma_wait3A_174 = arith.constant 0 : i32
    %dma_wait3A_175 = tpu.memref_slice %arg6[%dma_wait3A_172, %dma_wait3A_173, %dma_wait3A_174] : memref<3x128x256xf32, #tpu.memory_space<vmem>> -> memref<1x128x256xf32, #tpu.memory_space<vmem>>
    %dma_wait3A_176 = tpu.memref_squeeze %dma_wait3A_175 : memref<1x128x256xf32, #tpu.memory_space<vmem>> -> memref<128x256xf32, #tpu.memory_space<vmem>>
    %dma_wait3A_177 = arith.constant 0 : i32
    %dma_wait3A_178 = tpu.memref_slice %arg4[%add3A_79, %dma_wait3A_177] : memref<16384x256xf32, #tpu.memory_space<hbm>> -> memref<128x256xf32, #tpu.memory_space<hbm>>
    %dma_wait3A_179 = arith.constant 0 : i32
    %dma_wait3A_180 = tpu.memref_slice %arg4[%add3A_79, %dma_wait3A_179] : memref<16384x256xf32, #tpu.memory_space<hbm>> -> memref<128x256xf32, #tpu.memory_space<hbm>>
    %dma_wait3A_181 = arith.constant 0 : i32
    %dma_wait3A_182 = arith.constant 0 : i32
    %dma_wait3A_183 = tpu.memref_slice %arg6[%dma_wait3A_172, %dma_wait3A_181, %dma_wait3A_182] : memref<3x128x256xf32, #tpu.memory_space<vmem>> -> memref<1x128x256xf32, #tpu.memory_space<vmem>>
    %dma_wait3A_184 = tpu.memref_squeeze %dma_wait3A_183 : memref<1x128x256xf32, #tpu.memory_space<vmem>> -> memref<128x256xf32, #tpu.memory_space<vmem>>
    tpu.wait_dma2 semaphore(%arg8 : memref<!tpu.dma_semaphore, #tpu.memory_space<semaphore_mem>>) src(%dma_wait3A_184 : memref<128x256xf32, #tpu.memory_space<vmem>>) dst(%dma_wait3A_180 : memref<128x256xf32, #tpu.memory_space<hbm>>)
    %dma_wait3A_185 = arith.constant 2 : i32
    %dma_wait3A_186 = arith.constant 0 : i32
    %dma_wait3A_187 = arith.constant 0 : i32
    %dma_wait3A_188 = tpu.memref_slice %arg6[%dma_wait3A_185, %dma_wait3A_186, %dma_wait3A_187] : memref<3x128x256xf32, #tpu.memory_space<vmem>> -> memref<1x128x256xf32, #tpu.memory_space<vmem>>
    %dma_wait3A_189 = tpu.memref_squeeze %dma_wait3A_188 : memref<1x128x256xf32, #tpu.memory_space<vmem>> -> memref<128x256xf32, #tpu.memory_space<vmem>>
    %dma_wait3A_190 = arith.constant 0 : i32
    %dma_wait3A_191 = tpu.memref_slice %arg4[%add3A_131, %dma_wait3A_190] : memref<16384x256xf32, #tpu.memory_space<hbm>> -> memref<128x256xf32, #tpu.memory_space<hbm>>
    %dma_wait3A_192 = arith.constant 0 : i32
    %dma_wait3A_193 = tpu.memref_slice %arg4[%add3A_131, %dma_wait3A_192] : memref<16384x256xf32, #tpu.memory_space<hbm>> -> memref<128x256xf32, #tpu.memory_space<hbm>>
    %dma_wait3A_194 = arith.constant 0 : i32
    %dma_wait3A_195 = arith.constant 0 : i32
    %dma_wait3A_196 = tpu.memref_slice %arg6[%dma_wait3A_185, %dma_wait3A_194, %dma_wait3A_195] : memref<3x128x256xf32, #tpu.memory_space<vmem>> -> memref<1x128x256xf32, #tpu.memory_space<vmem>>
    %dma_wait3A_197 = tpu.memref_squeeze %dma_wait3A_196 : memref<1x128x256xf32, #tpu.memory_space<vmem>> -> memref<128x256xf32, #tpu.memory_space<vmem>>
    tpu.wait_dma2 semaphore(%arg8 : memref<!tpu.dma_semaphore, #tpu.memory_space<semaphore_mem>>) src(%dma_wait3A_197 : memref<128x256xf32, #tpu.memory_space<vmem>>) dst(%dma_wait3A_193 : memref<128x256xf32, #tpu.memory_space<hbm>>)
    %dma_wait3A_198 = arith.constant 0 : i32
    %dma_wait3A_199 = arith.constant 0 : i32
    %dma_wait3A_200 = arith.constant 0 : i32
    %dma_wait3A_201 = tpu.memref_slice %arg6[%dma_wait3A_198, %dma_wait3A_199, %dma_wait3A_200] : memref<3x128x256xf32, #tpu.memory_space<vmem>> -> memref<1x128x256xf32, #tpu.memory_space<vmem>>
    %dma_wait3A_202 = tpu.memref_squeeze %dma_wait3A_201 : memref<1x128x256xf32, #tpu.memory_space<vmem>> -> memref<128x256xf32, #tpu.memory_space<vmem>>
    %dma_wait3A_203 = arith.constant 0 : i32
    %dma_wait3A_204 = tpu.memref_slice %arg4[%add3A_158, %dma_wait3A_203] : memref<16384x256xf32, #tpu.memory_space<hbm>> -> memref<128x256xf32, #tpu.memory_space<hbm>>
    %dma_wait3A_205 = arith.constant 0 : i32
    %dma_wait3A_206 = tpu.memref_slice %arg4[%add3A_158, %dma_wait3A_205] : memref<16384x256xf32, #tpu.memory_space<hbm>> -> memref<128x256xf32, #tpu.memory_space<hbm>>
    %dma_wait3A_207 = arith.constant 0 : i32
    %dma_wait3A_208 = arith.constant 0 : i32
    %dma_wait3A_209 = tpu.memref_slice %arg6[%dma_wait3A_198, %dma_wait3A_207, %dma_wait3A_208] : memref<3x128x256xf32, #tpu.memory_space<vmem>> -> memref<1x128x256xf32, #tpu.memory_space<vmem>>
    %dma_wait3A_210 = tpu.memref_squeeze %dma_wait3A_209 : memref<1x128x256xf32, #tpu.memory_space<vmem>> -> memref<128x256xf32, #tpu.memory_space<vmem>>
    tpu.wait_dma2 semaphore(%arg8 : memref<!tpu.dma_semaphore, #tpu.memory_space<semaphore_mem>>) src(%dma_wait3A_210 : memref<128x256xf32, #tpu.memory_space<vmem>>) dst(%dma_wait3A_206 : memref<128x256xf32, #tpu.memory_space<hbm>>)
    return
  }
}

module attributes {stable_mosaic.version = 14 : i64} {
  func.func @_scores_argmax_body(%arg0: i32, %arg1: memref<12x8x256xf32, #tpu.memory_space<vmem>>, %arg2: memref<12x8x256xf32, #tpu.memory_space<vmem>>, %arg3: memref<1024x96xf32, #tpu.memory_space<vmem>>, %arg4: memref<1024x96xf32, #tpu.memory_space<vmem>>, %arg5: memref<1024x96xf32, #tpu.memory_space<vmem>>, %arg6: memref<1x1x256xi32, #tpu.memory_space<vmem>>) attributes {dimension_semantics = [#tpu.dimension_semantics<arbitrary>], iteration_bounds = array<i64: 64>, scalar_prefetch = 0 : i64, scratch_operands = 0 : i64, tpu.core_type = #tpu.core_type<tc>, window_params = [{transform_indices = @transform_0, window_bounds = array<i64: 12, 8, 256>}, {transform_indices = @transform_1, window_bounds = array<i64: 12, 8, 256>}, {pipeline_mode = #tpu.pipeline_mode<synchronous>, transform_indices = @transform_2, window_bounds = array<i64: 1024, 96>}, {pipeline_mode = #tpu.pipeline_mode<synchronous>, transform_indices = @transform_3, window_bounds = array<i64: 1024, 96>}, {pipeline_mode = #tpu.pipeline_mode<synchronous>, transform_indices = @transform_4, window_bounds = array<i64: 1024, 96>}, {transform_indices = @transform_5, window_bounds = array<i64: 1, 1, 256>}]} {
    %get3A = arith.constant 0 : index
    %get3A_0 = arith.constant 0 : index
    %get3A_1 = arith.constant 0 : index
    %get3A_2 = vector.load %arg1[%get3A, %get3A_0, %get3A_1] : memref<12x8x256xf32, #tpu.memory_space<vmem>>, vector<12x8x256xf32>
    %get3A_3 = arith.constant 0 : index
    %get3A_4 = arith.constant 0 : index
    %get3A_5 = arith.constant 0 : index
    %get3A_6 = vector.load %arg2[%get3A_3, %get3A_4, %get3A_5] : memref<12x8x256xf32, #tpu.memory_space<vmem>>, vector<12x8x256xf32>
    %reshape3A = vector.shape_cast %get3A_2 : vector<12x8x256xf32> to vector<96x256xf32>
    %reshape3A_7 = vector.shape_cast %get3A_6 : vector<12x8x256xf32> to vector<96x256xf32>
    %get3A_8 = arith.constant 0 : index
    %get3A_9 = arith.constant 0 : index
    %get3A_10 = vector.load %arg3[%get3A_8, %get3A_9] : memref<1024x96xf32, #tpu.memory_space<vmem>>, vector<1024x96xf32>
    %add3A = arith.addf %reshape3A, %reshape3A_7 : vector<96x256xf32>
    %dot_general3A = arith.constant dense<0.000000e+00> : vector<1024x256xf32>
    %dot_general3A_11 = tpu.matmul %get3A_10, %add3A, %dot_general3A {dimension_numbers = #tpu.dot_dimension_numbers<[1], [0], [0], [1], [0, 0, 1, 1], [], []>, transpose_lhs_hint = false} : vector<1024x96xf32>, vector<96x256xf32>, vector<1024x256xf32> -> vector<1024x256xf32>
    %get3A_12 = arith.constant 0 : index
    %get3A_13 = arith.constant 0 : index
    %get3A_14 = vector.load %arg4[%get3A_12, %get3A_13] : memref<1024x96xf32, #tpu.memory_space<vmem>>, vector<1024x96xf32>
    %dot_general3A_15 = arith.constant dense<0.000000e+00> : vector<1024x256xf32>
    %dot_general3A_16 = tpu.matmul %get3A_14, %reshape3A_7, %dot_general3A_15 {dimension_numbers = #tpu.dot_dimension_numbers<[1], [0], [0], [1], [0, 0, 1, 1], [], []>, transpose_lhs_hint = false} : vector<1024x96xf32>, vector<96x256xf32>, vector<1024x256xf32> -> vector<1024x256xf32>
    %get3A_17 = arith.constant 0 : index
    %get3A_18 = arith.constant 0 : index
    %get3A_19 = vector.load %arg5[%get3A_17, %get3A_18] : memref<1024x96xf32, #tpu.memory_space<vmem>>, vector<1024x96xf32>
    %dot_general3A_20 = arith.constant dense<0.000000e+00> : vector<1024x256xf32>
    %dot_general3A_21 = tpu.matmul %get3A_19, %reshape3A, %dot_general3A_20 {dimension_numbers = #tpu.dot_dimension_numbers<[1], [0], [0], [1], [0, 0, 1, 1], [], []>, transpose_lhs_hint = false} : vector<1024x96xf32>, vector<96x256xf32>, vector<1024x256xf32> -> vector<1024x256xf32>
    %sub3A = arith.subf %dot_general3A_11, %dot_general3A_16 : vector<1024x256xf32>
    %add3A_22 = arith.addf %dot_general3A_11, %dot_general3A_21 : vector<1024x256xf32>
    %mul3A = arith.mulf %sub3A, %sub3A : vector<1024x256xf32>
    %mul3A_23 = arith.mulf %add3A_22, %add3A_22 : vector<1024x256xf32>
    %add3A_24 = arith.addf %mul3A, %mul3A_23 : vector<1024x256xf32>
    %argmax3A = tpu.reduce_index %add3A_24 {axis = 0 : i32, kind = #tpu.reduction_kind<arg_max>} : vector<1024x256xf32> -> vector<256xi32>
    %swap3A = arith.constant 0 : index
    %swap3A_25 = arith.constant 0 : index
    %swap3A_26 = arith.constant 0 : index
    %swap3A_27 = vector.load %arg6[%swap3A, %swap3A_25, %swap3A_26] : memref<1x1x256xi32, #tpu.memory_space<vmem>>, vector<1x1x256xi32>
    %swap3A_28 = vector.shape_cast %swap3A_27 : vector<1x1x256xi32> to vector<256xi32>
    %swap3A_29 = vector.shape_cast %argmax3A : vector<256xi32> to vector<1x1x256xi32>
    tpu.vector_store %arg6[%swap3A, %swap3A_25, %swap3A_26], %swap3A_29 {strides = array<i32>} : memref<1x1x256xi32, #tpu.memory_space<vmem>>, vector<1x1x256xi32>,
    return
  }
  func.func @transform_0(%arg0: i32) -> (i32, i32, i32) {
    %add3A = arith.constant 0 : i32
    %add3A_0 = arith.addi %arg0, %add3A : i32
    %c0_i32 = arith.constant 0 : i32
    %c0_i32_1 = arith.constant 0 : i32
    %c0_i32_2 = arith.constant 0 : i32
    return %c0_i32, %c0_i32_1, %add3A_0 : i32, i32, i32
  }
  func.func @transform_1(%arg0: i32) -> (i32, i32, i32) {
    %add3A = arith.constant 0 : i32
    %add3A_0 = arith.addi %arg0, %add3A : i32
    %c0_i32 = arith.constant 0 : i32
    %c0_i32_1 = arith.constant 0 : i32
    %c0_i32_2 = arith.constant 0 : i32
    return %c0_i32, %c0_i32_1, %add3A_0 : i32, i32, i32
  }
  func.func @transform_2(%arg0: i32) -> (i32, i32) {
    %c0_i32 = arith.constant 0 : i32
    %c0_i32_0 = arith.constant 0 : i32
    %c0_i32_1 = arith.constant 0 : i32
    return %c0_i32, %c0_i32_0 : i32, i32
  }
  func.func @transform_3(%arg0: i32) -> (i32, i32) {
    %c0_i32 = arith.constant 0 : i32
    %c0_i32_0 = arith.constant 0 : i32
    %c0_i32_1 = arith.constant 0 : i32
    return %c0_i32, %c0_i32_0 : i32, i32
  }
  func.func @transform_4(%arg0: i32) -> (i32, i32) {
    %c0_i32 = arith.constant 0 : i32
    %c0_i32_0 = arith.constant 0 : i32
    %c0_i32_1 = arith.constant 0 : i32
    return %c0_i32, %c0_i32_0 : i32, i32
  }
  func.func @transform_5(%arg0: i32) -> (i32, i32, i32) {
    %c0_i32 = arith.constant 0 : i32
    %c0_i32_0 = arith.constant 0 : i32
    %c0_i32_1 = arith.constant 0 : i32
    return %arg0, %c0_i32, %c0_i32_0 : i32, i32, i32
  }
}

</mosaic_0001>

<sc_bundles>
// kernel: kernel.4.cloned.1.call-start
scs
__scs_entry_jumppad:
0x0: {  	(pc) =	sbr.rel $0x88, $3  }
0x1: {  	(tag) =	ssettag $0x0;
	lr =	simm.s32 $0x1  }
0x2: {  	[smem:$0x3F9D] =	sst lr;
	_ =	strace $0xD0000000  }
0x3: {  	_ = 	snop  }
0x4: {  	_ = 	snop  }
0x5: {  	_ = 	snop  }
0x6: {  	_ = 	snop  }
0x7: {  	_ = 	snop  }
__scs_overlays_trampoline_lowered:
0x8: {  	[smem:$0x3FAC] =	sst s0  }
0x9: {  	[smem:$0x3FAD] =	sst s1  }
0xa: {  	[smem:$0x3FAE] =	sst s2  }
0xb: {  	[smem:$0x3FAF] =	sst s3  }
0xc: {  	[smem:$0x3FB0] =	sst s4  }
0xd: {  	[smem:$0x3FB1] =	sst s5  }
0xe: {  	[smem:$0x3FB2] =	sst s6  }
0xf: {  	[smem:$0x3FB3] =	sst s7  }
0x10: {  	[smem:$0x3FB4] =	sst s8  }
0x11: {  	[smem:$0x3FB5] =	sst s9;
	s0 =	simm.s32 @!p0 $0x0  }
0x12: {  	s1 =	sld [smem:$0x3F9B];
	s0 =	simm.s32 @p0 $0x1  }
0x13: {  	[smem:$0x3FB6] =	sst s0;
	s0 =	simm.s32 @!p1 $0x0  }
0x14: {  	s2 =	sld [smem:$0x3F9A];
	s0 =	simm.s32 @p1 $0x1  }
0x15: {  	[smem:$0x3FB7] =	sst s0;
	s0 =	simm.s32 @!p2 $0x0  }
0x16: {  	s3 =	sld [smem:$0x3FDB];
	s0 =	simm.s32 @p2 $0x1  }
0x17: {  	s4 =	simm.s32 $0x1BF5;
	[smem:$0x3FB9] =	sst s0  }
0x18: {  	s0 =	sld [smem:$0x3F9C];
	_ =	swait.ge [sflag:s4], $0x0  }
0x19: {  	s7 =	sld [smem:$0x3F9D]  }
0x1a: {  	s8 =	sadd.s32 $0xFFFFE003, lr  }
0x1b: {  	s9 =	sadd.s32 $0xFFFFFEF7, lr;
	s5 =	simm.s32 $0xFFFFFFFF;
	p2 =	slt.u32 s8, $0xFFFFF086  }
0x1c: {  	p1 =	slt.u32 s9, $0xF7A;
	s5 =	simm.s32 @!p2 $0x0  }
0x1d: {  	s5 =	simm.s32 @p1 $0x1;
	p0 =	seq.s32 s7, s2  }
0x1e: {  	s7 =	smul.u32 @!p0 $0xF7A, s2;
	p2 =	seq.s32 @!p0 s5, $0x0  }
0x1f: {  	s9 =	smul.u32 $0xF7A, s1;
	s8 =	simm.s32 @!p0 $0x1BF5;
	p2 =	por !p2, p0  }
0x20: {  	[sflag:s8] =	ssyncset.s32 @!p0 $0xFFFFF086;
	s6 =	sadd.s32 @!p0 s3, s7;
	s7 =	simm.s32 @!p0 $0x108  }
0x21: {  	s3 =	sadd.s32 s3, s9;
	s6 =	sadd.s32 @!p0 $0x88, s6;
	s7 =	simm.s32 @p2 $0x1082  }
0x22: {  	[simem:s7], [sflag:s8] =	dma.local @!p0 [hbm:s6], $0xF7A  }
0x23: {  	s9 =	sor.u32 $0xD0000000, s2;
	s6 =	simm.s32 $0x108;
	_ =	swait.ge @!p0 [sflag:s8], $0x0  }
0x24: {  	s3 =	sadd.s32 $0x88, s3;
	s6 =	simm.s32 @!p1 $0x1082;
	[sflag:s4] =	ssyncset.s32 $0xFFFFF086  }
0x25: {  	[simem:s6], [sflag:s4] =	dma.local [hbm:s3], $0xF7A  }
0x26: {  	[smem:$0x3F9D] =	sst s1;
	(tag) =	ssettag s2;
	_ =	strace s9  }
0x27: {  	s1 =	sld [smem:$0x3FAD]  }
0x28: {  	s2 =	sld [smem:$0x3FAE]  }
0x29: {  	s4 =	sld [smem:$0x3FB0]  }
0x2a: {  	p0 =	seq.s32 s5, $0x0;
	s5 =	sld [smem:$0x3FB1]  }
0x2b: {  	s6 =	sld [smem:$0x3FB2]  }
0x2c: {  	s7 =	sld [smem:$0x3FB3]  }
0x2d: {  	s3 =	simm.s32 $0x108;
	s8 =	sld [smem:$0x3FB4]  }
0x2e: {  	s3 =	simm.s32 @!p0 $0x1082;
	s9 =	sld [smem:$0x3FB5]  }
0x2f: {  	lr =	sadd.s32 s0, s3;
	s0 =	sld [smem:$0x3FAC]  }
0x30: {  	s3 =	sld [smem:$0x3FAF]  }
0x31: {  	[smem:$0x3FB8] =	sst s10  }
0x32: {  	s10 =	sld [smem:$0x3FB6];
	_ =	sdelay $0x3  }
0x33: {  	p0 =	seq.s32 s10, $0x1;
	s10 =	sld [smem:$0x3FB8];
	_ =	sdelay $0x3  }
0x34: {  	[smem:$0x3FB8] =	sst s10  }
0x35: {  	s10 =	sld [smem:$0x3FB7];
	_ =	sdelay $0x3  }
0x36: {  	p1 =	seq.s32 s10, $0x1;
	s10 =	sld [smem:$0x3FB8];
	_ =	sdelay $0x3  }
0x37: {  	[smem:$0x3FB8] =	sst s10  }
0x38: {  	s10 =	sld [smem:$0x3FB9]  }
0x39: {  	_ = 	snop;
	(pc) =	sbr.ind lr, $3  }
0x3a: {  	_ = 	snop  }
0x3b: {  	_ = 	snop  }
0x3c: {  	p2 =	seq.s32 s10, $0x1;
	s10 =	sld [smem:$0x3FB8]  }
0x3d: {  	_ =	shalt  }
0x3e: {  	_ =	shalt  }
0x3f: {  	_ =	shalt  }
0x40: {  	_ =	shalt  }
0x41: {  	_ =	shalt  }
0x42: {  	_ =	shalt  }
0x43: {  	_ =	shalt  }
0x44: {  	_ =	shalt  }
0x45: {  	_ =	shalt  }
0x46: {  	_ =	shalt  }
0x47: {  	_ =	shalt  }
0x48: {  	_ =	shalt  }
0x49: {  	_ =	shalt  }
0x4a: {  	_ =	shalt  }
0x4b: {  	_ =	shalt  }
0x4c: {  	_ =	shalt  }
0x4d: {  	_ =	shalt  }
0x4e: {  	_ =	shalt  }
0x4f: {  	_ =	shalt  }
0x50: {  	_ =	shalt  }
0x51: {  	_ =	shalt  }
0x52: {  	_ =	shalt  }
0x53: {  	_ =	shalt  }
0x54: {  	_ =	shalt  }
0x55: {  	_ =	shalt  }
0x56: {  	_ =	shalt  }
0x57: {  	_ =	shalt  }
0x58: {  	_ =	shalt  }
0x59: {  	_ =	shalt  }
0x5a: {  	_ =	shalt  }
0x5b: {  	_ =	shalt  }
0x5c: {  	_ =	shalt  }
0x5d: {  	_ =	shalt  }
0x5e: {  	_ =	shalt  }
0x5f: {  	_ =	shalt  }
0x60: {  	_ =	shalt  }
0x61: {  	_ =	shalt  }
0x62: {  	_ =	shalt  }
0x63: {  	_ =	shalt  }
0x64: {  	_ =	shalt  }
0x65: {  	_ =	shalt  }
0x66: {  	_ =	shalt  }
0x67: {  	_ =	shalt  }
0x68: {  	_ =	shalt  }
0x69: {  	_ =	shalt  }
0x6a: {  	_ =	shalt  }
0x6b: {  	_ =	shalt  }
0x6c: {  	_ =	shalt  }
0x6d: {  	_ =	shalt  }
0x6e: {  	_ =	shalt  }
0x6f: {  	_ =	shalt  }
0x70: {  	_ =	shalt  }
0x71: {  	_ =	shalt  }
0x72: {  	_ =	shalt  }
0x73: {  	_ =	shalt  }
0x74: {  	_ =	shalt  }
0x75: {  	_ =	shalt  }
0x76: {  	_ =	shalt  }
0x77: {  	_ =	shalt  }
0x78: {  	_ =	shalt  }
0x79: {  	_ =	shalt  }
0x7a: {  	_ =	shalt  }
0x7b: {  	_ =	shalt  }
0x7c: {  	_ =	shalt  }
0x7d: {  	_ =	shalt  }
0x7e: {  	_ =	shalt  }
0x7f: {  	_ =	shalt  }
0x80: {  	_ =	shalt  }
0x81: {  	_ =	shalt  }
0x82: {  	_ =	shalt  }
0x83: {  	_ =	shalt  }
0x84: {  	_ =	shalt  }
0x85: {  	_ =	shalt  }
0x86: {  	_ =	shalt  }
0x87: {  	_ =	shalt  }
.Lfunc_end0:
.L_simem_size_0:
called_computation_lowered:
.L_overlay_start_0:
0x88: {  	s2 =	sld [smem:$0x3FD9]  }
0x89: {  	s3 =	sld [smem:$0x3FFE];
	_ =	sdelay $0x1  }
0x8a: {  	s1 =	srdreg.scid  }
0x8b: {  	s0 =	sand.u32 $0x1, s1  }
0x8c: {  	s17 =	sshll.u32 s0, $0xA;
	s2 =	sadd.s32 s3, s2  }
0x8d: {  	s2 =	sadd.s32 s2, s17  }
0x8e: {  	[smem:$0x3FC4] =	sst s2  }
0x8f: {  	_ = 	snop  }
0x90: {  	s2 =	sld [smem:$0x3FD0];
	(tm) =	ssettm $0x1  }
0x91: {  	s18 =	sld [smem:$0x3FFB];
	_ =	sdelay $0x3  }
0x92: {  	_ =	strace s18  }
0x93: {  	s3 =	sld [smem:$0x3FFC];
	_ =	sdelay $0x3  }
0x94: {  	_ =	strace s3  }
0x95: {  	s3 =	sld [smem:$0x3FFD];
	_ =	sdelay $0x3  }
0x96: {  	_ =	strace s3  }
0x97: {  	_ =	strace $0x8FFFFFFF  }
0x98: {  	s19 =	sld [smem:$0x3FDB];
	_ =	sdelay $0x1  }
0x99: {  	s4 =	simm.s32 $_scs_section_size  }
0x9a: {  	s5 =	simm.s32 $_size__tile_overlayer_lowered;
	s6 =	simm.s32 $_tile_overlayer_lowered  }
0x9b: {  	s22 =	simm.s32 $0x1BFF;
	s21 =	sshll.u32 s6, $0x1;
	s3 =	sadd.s32 s4, s19  }
0x9c: {  	s7 =	simm.s32 $0x0;
	s20 =	sshll.u32 s5, $0x1;
	s5 =	sadd.s32 s21, s3  }
0x9d: {  	[timem:s7], [sflag:s22] =	dma.local [hbm:s5], s20  }
0x9e: {  	_ =	swait.ge [sflag:s22], s20  }
0x9f: {  	s4 =	ssub.s32 $0x0, s20;
	[sflag:s22] =	ssyncset.done $0x0  }
0xa0: {  	[sflag:s22] =	ssyncadd.s32 s4;
	_ =	sdelay $0x1  }
0xa1: {  	s23 =	simm.s32 $0x1B8B  }
0xa2: {  	_ =	swait.ge [sflag:s23], $0x1  }
0xa3: {  	[sflag:s23] =	ssyncset.done $0x0  }
0xa4: {  	s25 =	simm.s32 $0x1B8E;
	s24 =	sld [smem:$0x3FFE];
	[sflag:s23] =	ssyncadd.s32 $0xFFFFFFFF  }
0xa5: {  	s26 =	simm.s32 $execute0_lowered;
	[smem:$0x3FD2] =	sst s25  }
0xa6: {  	s5 =	sshll.u32 s26, $0x1;
	_ =	strace $0x80000046;
	[dreg:$0x1] =	wrdreg $0xFFFFFFFF  }
0xa7: {  	s28 =	simm.s32 $_size_execute0_lowered;
	s3 =	sadd.s32 s3, s5;
	[dreg:$0x0] =	wrdreg $0x0  }
0xa8: {  	s5 =	sshll.u32 s28, $0x1;
	[dreg:$0x2] =	wrdreg s3  }
0xa9: {  	[dreg:$0x3] =	wrdreg s5  }
0xaa: {  	[dreg:$0x4] =	wrdreg $0xC0  }
0xab: {  	_ =	task [dreg:s7], $0x5FFFF  }
0xac: {  	[dreg:$0x1] =	wrdreg $0xFFFFFFFF  }
0xad: {  	[dreg:$0x0] =	wrdreg $0x60  }
0xae: {  	[dreg:$0x2] =	wrdreg s2  }
0xaf: {  	[dreg:$0x3] =	wrdreg s24  }
0xb0: {  	[dreg:$0x4] =	wrdreg $0x9  }
0xb1: {  	_ =	task.clear_ibuf [dreg:s7], $0x5FFFF;
	_ =	strace $0x90000046  }
0xb2: {  	s29 =	simm.s32 $0x9;
	_ =	strace $0x80000048  }
0xb3: {  	_ =	swait.ge [sflag:s29], $0x1  }
0xb4: {  	[sflag:s29] =	ssyncadd.s32 $0xFFFFFFFF  }
0xb5: {  	_ =	strace $0x90000048  }
0xb6: {  	_ =	sfence  }
0xb7: {  	s30 =	sld [smem:$0x0];
	_ =	sdelay $0x2  }
0xb8: {  	s31 =	sshll.u32 s1, $0xD;
	s1 =	sshrl.u32 s1, $0x2  }
0xb9: {  	s3 =	sand.u32 $0x4000, s31;
	s1 =	sadd.s32 s1, s30  }
0xba: {  	s0 =	sor.u32 s3, s0;
	s1 =	sshll.u32 s1, $0x11  }
0xbb: {  	s0 =	sor.u32 s1, s0  }
0xbc: {  	s0 =	sadd.s32 $0x8F2B, s0  }
0xbd: {  	[sflag:s0] =	ssyncadd.remote.s32 $0x1  }
0xbe: {  	_ =	sfence.sel $0xFFFF  }
0xbf: {  	[dreg:$0x0] =	wrdreg $0xFFFFFFFF;
	(pc) =	sbr.abs _section_cstart, $3  }
0xc0: {  	[dreg:$0x1] =	wrdreg $0xFFFFFFFF  }
0xc1: {  	_ =	task.clear_ibuf [dreg:s7], $0x2FFFF;
	_ =	strace $0x9FFFFFFF  }
0xc2: {  	(tm) =	ssettm $0x7FFFFFFF  }
0xc3: {  	_ =	shalt  }
tec
execute0_lowered:
.L_overlay_start_1:
0x0: {  	(tag) =	ssettag $0x1  }
0x1: {  	s1 =	rddreg [dreg:$0x0];
	s0 =	srdreg.scid  }
0x2: {  	s4 =	rddreg [dreg:$0x1];
	s3 =	simm.s32 $0x0;
	s20 =	stileid.u32  }
0x3: {  	s24 =	simm.s32 $0x8A00;
	s25 =	simm.s32 $0x9200;
	s9 =	simm.s32 $0xBA00  }
0x4: {  	s10 =	simm.s32 $0xC200;
	s11 =	simm.s32 $0xCA00;
	s12 =	simm.s32 $0xD200  }
0x5: {  	s13 =	simm.s32 $0xDA00;
	s14 =	simm.s32 $0xE200;
	[smem:$0x7FF] =	sst s3  }
0x6: {  	s15 =	simm.s32 $0xEA00;
	_ =	strace $0x80000047;
	[dreg:$0x8] =	wrdreg s24  }
0x7: {  	s16 =	simm.s32 $0xF200;
	s17 =	simm.s32 $0xFA00;
	[dreg:$0x9] =	wrdreg s25  }
0x8: {  	s18 =	simm.s32 $0x10A00;
	s19 =	simm.s32 $0x11200;
	[dreg:$0xe] =	wrdreg s9  }
0x9: {  	s28 =	simm.s32 $0x16200;
	s29 =	simm.s32 $0x16A00;
	[dreg:$0xf] =	wrdreg s10  }
0xa: {  	s30 =	simm.s32 $0x17200;
	s31 =	simm.s32 $0x17A00;
	[dreg:$0x10] =	wrdreg s11  }
0xb: {  	s0 =	sand.u32 $0x1, s0;
	s6 =	sshll.u32 s20, $0xF;
	[dreg:$0x11] =	wrdreg s12  }
0xc: {  	s8 =	sshll.u32 s20, $0x7;
	s20 =	simm.s32 $0x11A00;
	[dreg:$0x12] =	wrdreg s13  }
0xd: {  	s2 =	sshll.u32 s0, $0x6;
	s7 =	sshll.u32 s0, $0xE;
	[dreg:$0x13] =	wrdreg s14  }
0xe: {  	s0 =	ssub.s32 $0x2, s0;
	s9 =	simm.s32 $0x1A00;
	[dreg:$0x14] =	wrdreg s15  }
0xf: {  	s10 =	simm.s32 $0x2200;
	s11 =	simm.s32 $0x2A00;
	[dreg:$0x15] =	wrdreg s16  }
0x10: {  	s12 =	simm.s32 $0x3200;
	s13 =	simm.s32 $0x3A00;
	[dreg:$0x16] =	wrdreg s17  }
0x11: {  	s14 =	simm.s32 $0x4200;
	s15 =	simm.s32 $0x4A00;
	[dreg:$0x17] =	wrdreg s18  }
0x12: {  	s16 =	simm.s32 $0x5200;
	s17 =	simm.s32 $0x5A00;
	[dreg:$0x18] =	wrdreg s19  }
0x13: {  	s18 =	simm.s32 $0x6200;
	[dreg:$0x19] =	wrdreg s20;
	s24 =	simm.s32 $0x13A00  }
0x14: {  	s25 =	simm.s32 $0x14200;
	s5 =	sadd.s32 s2, s4;
	[dreg:$0x1d] =	wrdreg s24  }
0x15: {  	s6 =	sor.u32 s7, s6;
	s2 =	simm.s32 $0x9A00;
	[dreg:$0x1e] =	wrdreg s25  }
0x16: {  	s26 =	sshrl.u32 s0, $0x1;
	s7 =	simm.s32 $0xAA00;
	[dreg:$0xa] =	wrdreg s2  }
0x17: {  	s4 =	sadd.s32 s6, s4;
	s6 =	simm.s32 $0xA200;
	[dreg:$0xc] =	wrdreg s7  }
0x18: {  	s5 =	sadd.s32 s8, s5;
	s8 =	simm.s32 $0xB200;
	[dreg:$0xb] =	wrdreg s6  }
0x19: {  	s0 =	ssub.s32 s0, s26;
	s26 =	simm.s32 $0x14A00;
	[dreg:$0xd] =	wrdreg s8  }
0x1a: {  	s19 =	simm.s32 $0x6A00;
	s5 =	sadd.s32 $0x1200, s5;
	[dreg:$0x1f] =	wrdreg s26  }
0x1b: {  	s20 =	simm.s32 $0x7200;
	s21 =	sadd.s32 $0x1A00, s4;
	[dreg:$0x3] =	wrdreg s5  }
0x1c: {  	s24 =	simm.s32 $0x10200;
	s22 =	sadd.s32 $0x2A00, s4;
	[dreg:$0x4] =	wrdreg s21  }
0x1d: {  	s7 =	simm.s32 $0xA00;
	s23 =	sadd.s32 $0x3A00, s4;
	[dreg:$0x5] =	wrdreg s22  }
0x1e: {  	s4 =	sadd.s32 $0x4A00, s4;
	s6 =	simm.s32 $0x200;
	[dreg:$0x6] =	wrdreg s23  }
0x1f: {  	s8 =	simm.s32 $0x1200;
	s26 =	simm.s32 $0x15A00;
	[dreg:$0x7] =	wrdreg s4  }
0x20: {  	s4 =	smax.u32 s0, $0x1;
	s5 =	simm.s32 $0x3;
	s21 =	simm.s32 $0x12200  }
0x21: {  	v2 =	vlaneseq.u32;
	s22 =	simm.s32 $0x12A00;
	s23 =	simm.s32 $0x13200;
	[dreg:$0x1a] =	wrdreg s21  }
0x22: {  	vm0 =	vmmov $0xffff;
	v1 =	vshrl.u32 v2, $0x3;
	s0 =	simm.s32 $0x2;
	[dreg:$0x1b] =	wrdreg s22;
	s21 =	simm.s32 $0x7A00  }
0x23: {  	v0 =	vand.u32 $0x7, v2;
	v2 =	vor.u32 $0x8, v2;
	v1 =	vmul.u32 $0x8, v1;
	[dreg:$0x1c] =	wrdreg s23;
	s22 =	simm.s32 $0x8200;
	s23 =	simm.s32 $0x1  }
.LBB2_1:
0x24: {  	s2 =	rddreg [dreg:$0x3]  }
0x25: {  	[tilespmem:s3], [sflag:$0x3] =	stream.linear.gather [hbm4b:s2+s3], $0x200, $0x38;
	[tilespmem:$0x18200] =	vst v63  }
0x26: {  	_ =	swait.ge [sflag:s5], $0x200  }
0x27: {  	[sflag:s5] =	ssyncset.done $0x0  }
0x28: {  	[sflag:s5] =	ssyncadd.s32 $0xFFFFFE00  }
0x29: {  	v3 =	vld [tilespmem:$0x0];
	_ =	sdelay $0x4  }
0x2a: {  	v4 =	vshll.u32 v3, $0x1  }
0x2b: {  	v3 =	vand.u32 $0x7, v3;
	v4 =	vand.u32 $0xFFFFFFF0, v4  }
0x2c: {  	v3 =	vor.u32 v3, v4  }
0x2d: {  	v4 =	vperm.xlane v3, v0;
	_ =	sdelay $0x1  }
0x2e: {  	v3 =	vperm.xlane v3, v2;
	v4 =	vadd.s32 v1, v4;
	_ =	sdelay $0x1  }
0x2f: {  	v3 =	vadd.s32 v1, v3;
	_ =	sdelay $0x2  }
0x30: {  	[tilespmem:s6], [sflag:$0x1] =	stream.indirect_vreg.gather [hbm4b:s1+s3], $0x80, v4, vm0, $0xb8;
	[tilespmem:$0x18200] =	vst v63  }
0x31: {  	_ = 	snop  }
0x32: {  	[tilespmem:s7], [sflag:$0x1] =	stream.indirect_vreg.gather [hbm4b:s1+s3], $0x80, v3, vm0, $0xb8;
	[tilespmem:$0x18200] =	vst v63  }
0x33: {  	v3 =	vld [tilespmem:$0x10];
	_ =	sdelay $0x4  }
0x34: {  	v33 =	vshll.u32 v3, $0x1  }
0x35: {  	v3 =	vand.u32 $0x7, v3;
	v4 =	vand.u32 $0xFFFFFFF0, v33  }
0x36: {  	v3 =	vor.u32 v3, v4  }
0x37: {  	v4 =	vperm.xlane v3, v0;
	_ =	sdelay $0x1  }
0x38: {  	v3 =	vperm.xlane v3, v2;
	v4 =	vadd.s32 v1, v4;
	_ =	sdelay $0x1  }
0x39: {  	v3 =	vadd.s32 v1, v3;
	_ =	sdelay $0x2  }
0x3a: {  	[tilespmem:s8], [sflag:$0x1] =	stream.indirect_vreg.gather [hbm4b:s1+s3], $0x80, v4, vm0, $0xb8;
	[tilespmem:$0x18200] =	vst v63  }
0x3b: {  	_ = 	snop  }
0x3c: {  	[tilespmem:s9], [sflag:$0x1] =	stream.indirect_vreg.gather [hbm4b:s1+s3], $0x80, v3, vm0, $0xb8;
	[tilespmem:$0x18200] =	vst v63  }
0x3d: {  	v3 =	vld [tilespmem:$0x20];
	_ =	sdelay $0x4  }
0x3e: {  	v34 =	vshll.u32 v3, $0x1  }
0x3f: {  	v3 =	vand.u32 $0x7, v3;
	v4 =	vand.u32 $0xFFFFFFF0, v34  }
0x40: {  	v3 =	vor.u32 v3, v4  }
0x41: {  	v4 =	vperm.xlane v3, v0;
	_ =	sdelay $0x1  }
0x42: {  	v3 =	vperm.xlane v3, v2;
	v4 =	vadd.s32 v1, v4;
	_ =	sdelay $0x1  }
0x43: {  	v3 =	vadd.s32 v1, v3;
	_ =	sdelay $0x2  }
0x44: {  	[tilespmem:s10], [sflag:$0x1] =	stream.indirect_vreg.gather [hbm4b:s1+s3], $0x80, v4, vm0, $0xb8;
	[tilespmem:$0x18200] =	vst v63  }
0x45: {  	_ = 	snop  }
0x46: {  	[tilespmem:s11], [sflag:$0x1] =	stream.indirect_vreg.gather [hbm4b:s1+s3], $0x80, v3, vm0, $0xb8;
	[tilespmem:$0x18200] =	vst v63  }
0x47: {  	v3 =	vld [tilespmem:$0x30];
	_ =	sdelay $0x4  }
0x48: {  	v35 =	vshll.u32 v3, $0x1  }
0x49: {  	v3 =	vand.u32 $0x7, v3;
	v4 =	vand.u32 $0xFFFFFFF0, v35  }
0x4a: {  	v3 =	vor.u32 v3, v4  }
0x4b: {  	v4 =	vperm.xlane v3, v0;
	_ =	sdelay $0x1  }
0x4c: {  	v3 =	vperm.xlane v3, v2;
	v4 =	vadd.s32 v1, v4;
	_ =	sdelay $0x1  }
0x4d: {  	v3 =	vadd.s32 v1, v3;
	_ =	sdelay $0x2  }
0x4e: {  	[tilespmem:s12], [sflag:$0x1] =	stream.indirect_vreg.gather [hbm4b:s1+s3], $0x80, v4, vm0, $0xb8;
	[tilespmem:$0x18200] =	vst v63  }
0x4f: {  	_ = 	snop  }
0x50: {  	[tilespmem:s13], [sflag:$0x1] =	stream.indirect_vreg.gather [hbm4b:s1+s3], $0x80, v3, vm0, $0xb8;
	[tilespmem:$0x18200] =	vst v63  }
0x51: {  	v3 =	vld [tilespmem:$0x40];
	_ =	sdelay $0x4  }
0x52: {  	v36 =	vshll.u32 v3, $0x1  }
0x53: {  	v3 =	vand.u32 $0x7, v3;
	v4 =	vand.u32 $0xFFFFFFF0, v36  }
0x54: {  	v3 =	vor.u32 v3, v4  }
0x55: {  	v4 =	vperm.xlane v3, v0;
	_ =	sdelay $0x1  }
0x56: {  	v3 =	vperm.xlane v3, v2;
	v4 =	vadd.s32 v1, v4;
	_ =	sdelay $0x1  }
0x57: {  	v3 =	vadd.s32 v1, v3;
	_ =	sdelay $0x2  }
0x58: {  	[tilespmem:s14], [sflag:$0x1] =	stream.indirect_vreg.gather [hbm4b:s1+s3], $0x80, v4, vm0, $0xb8;
	[tilespmem:$0x18200] =	vst v63  }
0x59: {  	_ = 	snop  }
0x5a: {  	[tilespmem:s15], [sflag:$0x1] =	stream.indirect_vreg.gather [hbm4b:s1+s3], $0x80, v3, vm0, $0xb8;
	[tilespmem:$0x18200] =	vst v63  }
0x5b: {  	v3 =	vld [tilespmem:$0x50];
	_ =	sdelay $0x4  }
0x5c: {  	v37 =	vshll.u32 v3, $0x1  }
0x5d: {  	v3 =	vand.u32 $0x7, v3;
	v4 =	vand.u32 $0xFFFFFFF0, v37  }
0x5e: {  	v3 =	vor.u32 v3, v4  }
0x5f: {  	v4 =	vperm.xlane v3, v0;
	_ =	sdelay $0x1  }
0x60: {  	v3 =	vperm.xlane v3, v2;
	v4 =	vadd.s32 v1, v4;
	_ =	sdelay $0x1  }
0x61: {  	v3 =	vadd.s32 v1, v3;
	_ =	sdelay $0x2  }
0x62: {  	[tilespmem:s16], [sflag:$0x1] =	stream.indirect_vreg.gather [hbm4b:s1+s3], $0x80, v4, vm0, $0xb8;
	[tilespmem:$0x18200] =	vst v63  }
0x63: {  	_ = 	snop  }
0x64: {  	[tilespmem:s17], [sflag:$0x1] =	stream.indirect_vreg.gather [hbm4b:s1+s3], $0x80, v3, vm0, $0xb8;
	[tilespmem:$0x18200] =	vst v63  }
0x65: {  	v3 =	vld [tilespmem:$0x60];
	_ =	sdelay $0x4  }
0x66: {  	v38 =	vshll.u32 v3, $0x1  }
0x67: {  	v3 =	vand.u32 $0x7, v3;
	v4 =	vand.u32 $0xFFFFFFF0, v38  }
0x68: {  	v3 =	vor.u32 v3, v4  }
0x69: {  	v4 =	vperm.xlane v3, v0;
	_ =	sdelay $0x1  }
0x6a: {  	v3 =	vperm.xlane v3, v2;
	v4 =	vadd.s32 v1, v4;
	_ =	sdelay $0x1  }
0x6b: {  	v3 =	vadd.s32 v1, v3;
	_ =	sdelay $0x2  }
0x6c: {  	[tilespmem:s18], [sflag:$0x1] =	stream.indirect_vreg.gather [hbm4b:s1+s3], $0x80, v4, vm0, $0xb8;
	[tilespmem:$0x18200] =	vst v63  }
0x6d: {  	_ = 	snop  }
0x6e: {  	[tilespmem:s19], [sflag:$0x1] =	stream.indirect_vreg.gather [hbm4b:s1+s3], $0x80, v3, vm0, $0xb8;
	[tilespmem:$0x18200] =	vst v63  }
0x6f: {  	v3 =	vld [tilespmem:$0x70];
	_ =	sdelay $0x4  }
0x70: {  	v39 =	vshll.u32 v3, $0x1  }
0x71: {  	v3 =	vand.u32 $0x7, v3;
	v4 =	vand.u32 $0xFFFFFFF0, v39  }
0x72: {  	v3 =	vor.u32 v3, v4  }
0x73: {  	v4 =	vperm.xlane v3, v0;
	_ =	sdelay $0x1  }
0x74: {  	v3 =	vperm.xlane v3, v2;
	v4 =	vadd.s32 v1, v4;
	_ =	sdelay $0x1  }
0x75: {  	v3 =	vadd.s32 v1, v3;
	_ =	sdelay $0x2  }
0x76: {  	[tilespmem:s20], [sflag:$0x1] =	stream.indirect_vreg.gather [hbm4b:s1+s3], $0x80, v4, vm0, $0xb8;
	[tilespmem:$0x18200] =	vst v63  }
0x77: {  	_ = 	snop  }
0x78: {  	[tilespmem:s21], [sflag:$0x1] =	stream.indirect_vreg.gather [hbm4b:s1+s3], $0x80, v3, vm0, $0xb8;
	[tilespmem:$0x18200] =	vst v63  }
0x79: {  	v3 =	vld [tilespmem:$0x80];
	_ =	sdelay $0x4  }
0x7a: {  	v40 =	vshll.u32 v3, $0x1  }
0x7b: {  	v3 =	vand.u32 $0x7, v3;
	v4 =	vand.u32 $0xFFFFFFF0, v40  }
0x7c: {  	v3 =	vor.u32 v3, v4  }
0x7d: {  	v4 =	vperm.xlane v3, v0;
	_ =	sdelay $0x1  }
0x7e: {  	v3 =	vperm.xlane v3, v2;
	v4 =	vadd.s32 v1, v4;
	_ =	sdelay $0x1  }
0x7f: {  	v3 =	vadd.s32 v1, v3;
	_ =	sdelay $0x2  }
0x80: {  	[tilespmem:s22], [sflag:$0x1] =	stream.indirect_vreg.gather [hbm4b:s1+s3], $0x80, v4, vm0, $0xb8;
	[tilespmem:$0x18200] =	vst v63  }
0x81: {  	s25 =	rddreg [dreg:$0x8]  }
0x82: {  	[tilespmem:s25], [sflag:$0x1] =	stream.indirect_vreg.gather [hbm4b:s1+s3], $0x80, v3, vm0, $0xb8;
	[tilespmem:$0x18200] =	vst v63  }
0x83: {  	v3 =	vld [tilespmem:$0x90];
	_ =	sdelay $0x4  }
0x84: {  	v41 =	vshll.u32 v3, $0x1  }
0x85: {  	v3 =	vand.u32 $0x7, v3;
	v4 =	vand.u32 $0xFFFFFFF0, v41  }
0x86: {  	v3 =	vor.u32 v3, v4  }
0x87: {  	v4 =	vperm.xlane v3, v0;
	_ =	sdelay $0x1  }
0x88: {  	v3 =	vperm.xlane v3, v2;
	v4 =	vadd.s32 v1, v4;
	_ =	sdelay $0x1  }
0x89: {  	v3 =	vadd.s32 v1, v3;
	_ =	sdelay $0x1  }
0x8a: {  	s2 =	rddreg [dreg:$0x9]  }
0x8b: {  	[tilespmem:s2], [sflag:$0x1] =	stream.indirect_vreg.gather [hbm4b:s1+s3], $0x80, v4, vm0, $0xb8;
	[tilespmem:$0x18200] =	vst v63  }
0x8c: {  	s25 =	rddreg [dreg:$0xa]  }
0x8d: {  	[tilespmem:s25], [sflag:$0x1] =	stream.indirect_vreg.gather [hbm4b:s1+s3], $0x80, v3, vm0, $0xb8;
	[tilespmem:$0x18200] =	vst v63  }
0x8e: {  	v3 =	vld [tilespmem:$0xA0];
	_ =	sdelay $0x4  }
0x8f: {  	v42 =	vshll.u32 v3, $0x1  }
0x90: {  	v3 =	vand.u32 $0x7, v3;
	v4 =	vand.u32 $0xFFFFFFF0, v42  }
0x91: {  	v3 =	vor.u32 v3, v4  }
0x92: {  	v4 =	vperm.xlane v3, v0;
	_ =	sdelay $0x1  }
0x93: {  	v3 =	vperm.xlane v3, v2;
	v4 =	vadd.s32 v1, v4;
	_ =	sdelay $0x1  }
0x94: {  	v3 =	vadd.s32 v1, v3;
	_ =	sdelay $0x1  }
0x95: {  	s2 =	rddreg [dreg:$0xb]  }
0x96: {  	[tilespmem:s2], [sflag:$0x1] =	stream.indirect_vreg.gather [hbm4b:s1+s3], $0x80, v4, vm0, $0xb8;
	[tilespmem:$0x18200] =	vst v63  }
0x97: {  	s25 =	rddreg [dreg:$0xc]  }
0x98: {  	[tilespmem:s25], [sflag:$0x1] =	stream.indirect_vreg.gather [hbm4b:s1+s3], $0x80, v3, vm0, $0xb8;
	[tilespmem:$0x18200] =	vst v63  }
0x99: {  	v3 =	vld [tilespmem:$0xB0];
	_ =	sdelay $0x4  }
0x9a: {  	v43 =	vshll.u32 v3, $0x1  }
0x9b: {  	v3 =	vand.u32 $0x7, v3;
	v4 =	vand.u32 $0xFFFFFFF0, v43  }
0x9c: {  	v3 =	vor.u32 v3, v4  }
0x9d: {  	v4 =	vperm.xlane v3, v0;
	_ =	sdelay $0x1  }
0x9e: {  	v3 =	vperm.xlane v3, v2;
	v4 =	vadd.s32 v1, v4;
	_ =	sdelay $0x1  }
0x9f: {  	v3 =	vadd.s32 v1, v3;
	_ =	sdelay $0x1  }
0xa0: {  	s2 =	rddreg [dreg:$0xd]  }
0xa1: {  	[tilespmem:s2], [sflag:$0x1] =	stream.indirect_vreg.gather [hbm4b:s1+s3], $0x80, v4, vm0, $0xb8;
	[tilespmem:$0x18200] =	vst v63  }
0xa2: {  	s25 =	rddreg [dreg:$0xe]  }
0xa3: {  	[tilespmem:s25], [sflag:$0x1] =	stream.indirect_vreg.gather [hbm4b:s1+s3], $0x80, v3, vm0, $0xb8;
	[tilespmem:$0x18200] =	vst v63  }
0xa4: {  	v3 =	vld [tilespmem:$0xC0];
	_ =	sdelay $0x4  }
0xa5: {  	v44 =	vshll.u32 v3, $0x1  }
0xa6: {  	v3 =	vand.u32 $0x7, v3;
	v4 =	vand.u32 $0xFFFFFFF0, v44  }
0xa7: {  	v3 =	vor.u32 v3, v4  }
0xa8: {  	v4 =	vperm.xlane v3, v0;
	_ =	sdelay $0x1  }
0xa9: {  	v3 =	vperm.xlane v3, v2;
	v4 =	vadd.s32 v1, v4;
	_ =	sdelay $0x1  }
0xaa: {  	v3 =	vadd.s32 v1, v3;
	_ =	sdelay $0x1  }
0xab: {  	s2 =	rddreg [dreg:$0xf]  }
0xac: {  	[tilespmem:s2], [sflag:$0x1] =	stream.indirect_vreg.gather [hbm4b:s1+s3], $0x80, v4, vm0, $0xb8;
	[tilespmem:$0x18200] =	vst v63  }
0xad: {  	s25 =	rddreg [dreg:$0x10]  }
0xae: {  	[tilespmem:s25], [sflag:$0x1] =	stream.indirect_vreg.gather [hbm4b:s1+s3], $0x80, v3, vm0, $0xb8;
	[tilespmem:$0x18200] =	vst v63  }
0xaf: {  	v3 =	vld [tilespmem:$0xD0];
	_ =	sdelay $0x4  }
0xb0: {  	v45 =	vshll.u32 v3, $0x1  }
0xb1: {  	v3 =	vand.u32 $0x7, v3;
	v4 =	vand.u32 $0xFFFFFFF0, v45  }
0xb2: {  	v3 =	vor.u32 v3, v4  }
0xb3: {  	v4 =	vperm.xlane v3, v0;
	_ =	sdelay $0x1  }
0xb4: {  	v3 =	vperm.xlane v3, v2;
	v4 =	vadd.s32 v1, v4;
	_ =	sdelay $0x1  }
0xb5: {  	v3 =	vadd.s32 v1, v3;
	_ =	sdelay $0x1  }
0xb6: {  	s2 =	rddreg [dreg:$0x11]  }
0xb7: {  	[tilespmem:s2], [sflag:$0x1] =	stream.indirect_vreg.gather [hbm4b:s1+s3], $0x80, v4, vm0, $0xb8;
	[tilespmem:$0x18200] =	vst v63  }
0xb8: {  	s25 =	rddreg [dreg:$0x12]  }
0xb9: {  	[tilespmem:s25], [sflag:$0x1] =	stream.indirect_vreg.gather [hbm4b:s1+s3], $0x80, v3, vm0, $0xb8;
	[tilespmem:$0x18200] =	vst v63  }
0xba: {  	v3 =	vld [tilespmem:$0xE0];
	_ =	sdelay $0x4  }
0xbb: {  	v46 =	vshll.u32 v3, $0x1  }
0xbc: {  	v3 =	vand.u32 $0x7, v3;
	v4 =	vand.u32 $0xFFFFFFF0, v46  }
0xbd: {  	v3 =	vor.u32 v3, v4  }
0xbe: {  	v4 =	vperm.xlane v3, v0;
	_ =	sdelay $0x1  }
0xbf: {  	v3 =	vperm.xlane v3, v2;
	v4 =	vadd.s32 v1, v4;
	_ =	sdelay $0x1  }
0xc0: {  	v3 =	vadd.s32 v1, v3;
	_ =	sdelay $0x1  }
0xc1: {  	s2 =	rddreg [dreg:$0x13]  }
0xc2: {  	[tilespmem:s2], [sflag:$0x1] =	stream.indirect_vreg.gather [hbm4b:s1+s3], $0x80, v4, vm0, $0xb8;
	[tilespmem:$0x18200] =	vst v63  }
0xc3: {  	s25 =	rddreg [dreg:$0x14]  }
0xc4: {  	[tilespmem:s25], [sflag:$0x1] =	stream.indirect_vreg.gather [hbm4b:s1+s3], $0x80, v3, vm0, $0xb8;
	[tilespmem:$0x18200] =	vst v63  }
0xc5: {  	v3 =	vld [tilespmem:$0xF0];
	_ =	sdelay $0x4  }
0xc6: {  	v47 =	vshll.u32 v3, $0x1  }
0xc7: {  	v3 =	vand.u32 $0x7, v3;
	v4 =	vand.u32 $0xFFFFFFF0, v47  }
0xc8: {  	v3 =	vor.u32 v3, v4  }
0xc9: {  	v4 =	vperm.xlane v3, v0;
	_ =	sdelay $0x1  }
0xca: {  	v3 =	vperm.xlane v3, v2;
	v4 =	vadd.s32 v1, v4;
	_ =	sdelay $0x1  }
0xcb: {  	v3 =	vadd.s32 v1, v3;
	_ =	sdelay $0x1  }
0xcc: {  	s2 =	rddreg [dreg:$0x15]  }
0xcd: {  	[tilespmem:s2], [sflag:$0x1] =	stream.indirect_vreg.gather [hbm4b:s1+s3], $0x80, v4, vm0, $0xb8;
	[tilespmem:$0x18200] =	vst v63  }
0xce: {  	s25 =	rddreg [dreg:$0x16]  }
0xcf: {  	[tilespmem:s25], [sflag:$0x1] =	stream.indirect_vreg.gather [hbm4b:s1+s3], $0x80, v3, vm0, $0xb8;
	[tilespmem:$0x18200] =	vst v63  }
0xd0: {  	_ =	swait.ge [sflag:s23], $0x8000  }
0xd1: {  	[sflag:s23] =	ssyncset.done $0x0  }
0xd2: {  	s25 =	rddreg [dreg:$0x4];
	[sflag:s23] =	ssyncadd.s32 $0xFFFF8000  }
0xd3: {  	[hbm4b:s25+s3] =	stream.linear.scatter [tilespmem:s6], [sflag:$0x2], $0x8000, $0x38;
	[tilespmem:$0x18200] =	vst v63  }
0xd4: {  	v3 =	vld [tilespmem:$0x100];
	_ =	sdelay $0x4  }
0xd5: {  	v48 =	vshll.u32 v3, $0x1  }
0xd6: {  	v3 =	vand.u32 $0x7, v3;
	v4 =	vand.u32 $0xFFFFFFF0, v48  }
0xd7: {  	v3 =	vor.u32 v3, v4  }
0xd8: {  	v4 =	vperm.xlane v3, v0;
	_ =	sdelay $0x1  }
0xd9: {  	v3 =	vperm.xlane v3, v2;
	v4 =	vadd.s32 v1, v4;
	_ =	sdelay $0x1  }
0xda: {  	v3 =	vadd.s32 v1, v3;
	_ =	sdelay $0x2  }
0xdb: {  	[tilespmem:s24], [sflag:$0x1] =	stream.indirect_vreg.gather [hbm4b:s1+s3], $0x80, v4, vm0, $0xb8;
	[tilespmem:$0x18200] =	vst v63  }
0xdc: {  	s25 =	rddreg [dreg:$0x17]  }
0xdd: {  	[tilespmem:s25], [sflag:$0x1] =	stream.indirect_vreg.gather [hbm4b:s1+s3], $0x80, v3, vm0, $0xb8;
	[tilespmem:$0x18200] =	vst v63  }
0xde: {  	v3 =	vld [tilespmem:$0x110];
	_ =	sdelay $0x4  }
0xdf: {  	v49 =	vshll.u32 v3, $0x1  }
0xe0: {  	v3 =	vand.u32 $0x7, v3;
	v4 =	vand.u32 $0xFFFFFFF0, v49  }
0xe1: {  	v3 =	vor.u32 v3, v4  }
0xe2: {  	v4 =	vperm.xlane v3, v0;
	_ =	sdelay $0x1  }
0xe3: {  	v3 =	vperm.xlane v3, v2;
	v4 =	vadd.s32 v1, v4;
	_ =	sdelay $0x1  }
0xe4: {  	v3 =	vadd.s32 v1, v3;
	_ =	sdelay $0x1  }
0xe5: {  	s2 =	rddreg [dreg:$0x18]  }
0xe6: {  	[tilespmem:s2], [sflag:$0x1] =	stream.indirect_vreg.gather [hbm4b:s1+s3], $0x80, v4, vm0, $0xb8;
	[tilespmem:$0x18200] =	vst v63  }
0xe7: {  	s25 =	rddreg [dreg:$0x19]  }
0xe8: {  	[tilespmem:s25], [sflag:$0x1] =	stream.indirect_vreg.gather [hbm4b:s1+s3], $0x80, v3, vm0, $0xb8;
	[tilespmem:$0x18200] =	vst v63  }
0xe9: {  	v3 =	vld [tilespmem:$0x120];
	_ =	sdelay $0x4  }
0xea: {  	v50 =	vshll.u32 v3, $0x1  }
0xeb: {  	v3 =	vand.u32 $0x7, v3;
	v4 =	vand.u32 $0xFFFFFFF0, v50  }
0xec: {  	v3 =	vor.u32 v3, v4  }
0xed: {  	v4 =	vperm.xlane v3, v0;
	_ =	sdelay $0x1  }
0xee: {  	v3 =	vperm.xlane v3, v2;
	v4 =	vadd.s32 v1, v4;
	_ =	sdelay $0x1  }
0xef: {  	v3 =	vadd.s32 v1, v3;
	_ =	sdelay $0x1  }
0xf0: {  	s2 =	rddreg [dreg:$0x1a]  }
0xf1: {  	[tilespmem:s2], [sflag:$0x1] =	stream.indirect_vreg.gather [hbm4b:s1+s3], $0x80, v4, vm0, $0xb8;
	[tilespmem:$0x18200] =	vst v63  }
0xf2: {  	s25 =	rddreg [dreg:$0x1b]  }
0xf3: {  	[tilespmem:s25], [sflag:$0x1] =	stream.indirect_vreg.gather [hbm4b:s1+s3], $0x80, v3, vm0, $0xb8;
	[tilespmem:$0x18200] =	vst v63  }
0xf4: {  	v3 =	vld [tilespmem:$0x130];
	_ =	sdelay $0x4  }
0xf5: {  	v51 =	vshll.u32 v3, $0x1  }
0xf6: {  	v3 =	vand.u32 $0x7, v3;
	v4 =	vand.u32 $0xFFFFFFF0, v51  }
0xf7: {  	v3 =	vor.u32 v3, v4  }
0xf8: {  	v4 =	vperm.xlane v3, v0;
	_ =	sdelay $0x1  }
0xf9: {  	v3 =	vperm.xlane v3, v2;
	v4 =	vadd.s32 v1, v4;
	_ =	sdelay $0x1  }
0xfa: {  	v3 =	vadd.s32 v1, v3;
	_ =	sdelay $0x1  }
0xfb: {  	s2 =	rddreg [dreg:$0x1c]  }
0xfc: {  	[tilespmem:s2], [sflag:$0x1] =	stream.indirect_vreg.gather [hbm4b:s1+s3], $0x80, v4, vm0, $0xb8;
	[tilespmem:$0x18200] =	vst v63  }
0xfd: {  	s25 =	rddreg [dreg:$0x1d]  }
0xfe: {  	[tilespmem:s25], [sflag:$0x1] =	stream.indirect_vreg.gather [hbm4b:s1+s3], $0x80, v3, vm0, $0xb8;
	[tilespmem:$0x18200] =	vst v63  }
0xff: {  	v3 =	vld [tilespmem:$0x140];
	_ =	sdelay $0x4  }
0x100: {  	v52 =	vshll.u32 v3, $0x1  }
0x101: {  	v3 =	vand.u32 $0x7, v3;
	v4 =	vand.u32 $0xFFFFFFF0, v52  }
0x102: {  	v3 =	vor.u32 v3, v4  }
0x103: {  	v4 =	vperm.xlane v3, v0;
	_ =	sdelay $0x1  }
0x104: {  	v3 =	vperm.xlane v3, v2;
	v4 =	vadd.s32 v1, v4;
	_ =	sdelay $0x1  }
0x105: {  	v3 =	vadd.s32 v1, v3;
	_ =	sdelay $0x1  }
0x106: {  	s2 =	rddreg [dreg:$0x1e]  }
0x107: {  	[tilespmem:s2], [sflag:$0x1] =	stream.indirect_vreg.gather [hbm4b:s1+s3], $0x80, v4, vm0, $0xb8;
	[tilespmem:$0x18200] =	vst v63  }
0x108: {  	s25 =	rddreg [dreg:$0x1f]  }
0x109: {  	[tilespmem:s25], [sflag:$0x1] =	stream.indirect_vreg.gather [hbm4b:s1+s3], $0x80, v3, vm0, $0xb8;
	[tilespmem:$0x18200] =	vst v63  }
0x10a: {  	v3 =	vld [tilespmem:$0x150];
	_ =	sdelay $0x4  }
0x10b: {  	v53 =	vshll.u32 v3, $0x1  }
0x10c: {  	v3 =	vand.u32 $0x7, v3;
	v4 =	vand.u32 $0xFFFFFFF0, v53  }
0x10d: {  	v3 =	vor.u32 v3, v4  }
0x10e: {  	v4 =	vperm.xlane v3, v0;
	_ =	sdelay $0x1  }
0x10f: {  	v3 =	vperm.xlane v3, v2;
	v4 =	vadd.s32 v1, v4;
	_ =	sdelay $0x1  }
0x110: {  	v3 =	vadd.s32 v1, v3;
	_ =	sdelay $0x1  }
0x111: {  	s25 =	simm.s32 $0x15200  }
0x112: {  	[tilespmem:s25], [sflag:$0x1] =	stream.indirect_vreg.gather [hbm4b:s1+s3], $0x80, v4, vm0, $0xb8;
	[tilespmem:$0x18200] =	vst v63  }
0x113: {  	_ = 	snop  }
0x114: {  	[tilespmem:s26], [sflag:$0x1] =	stream.indirect_vreg.gather [hbm4b:s1+s3], $0x80, v3, vm0, $0xb8;
	[tilespmem:$0x18200] =	vst v63  }
0x115: {  	v3 =	vld [tilespmem:$0x160];
	_ =	sdelay $0x4  }
0x116: {  	v54 =	vshll.u32 v3, $0x1  }
0x117: {  	v3 =	vand.u32 $0x7, v3;
	v4 =	vand.u32 $0xFFFFFFF0, v54  }
0x118: {  	v3 =	vor.u32 v3, v4  }
0x119: {  	v4 =	vperm.xlane v3, v0;
	_ =	sdelay $0x1  }
0x11a: {  	v3 =	vperm.xlane v3, v2;
	v4 =	vadd.s32 v1, v4;
	_ =	sdelay $0x1  }
0x11b: {  	v3 =	vadd.s32 v1, v3;
	_ =	sdelay $0x2  }
0x11c: {  	[tilespmem:s28], [sflag:$0x1] =	stream.indirect_vreg.gather [hbm4b:s1+s3], $0x80, v4, vm0, $0xb8;
	[tilespmem:$0x18200] =	vst v63  }
0x11d: {  	_ = 	snop  }
0x11e: {  	[tilespmem:s29], [sflag:$0x1] =	stream.indirect_vreg.gather [hbm4b:s1+s3], $0x80, v3, vm0, $0xb8;
	[tilespmem:$0x18200] =	vst v63  }
0x11f: {  	v3 =	vld [tilespmem:$0x170];
	_ =	sdelay $0x4  }
0x120: {  	v55 =	vshll.u32 v3, $0x1  }
0x121: {  	v3 =	vand.u32 $0x7, v3;
	v4 =	vand.u32 $0xFFFFFFF0, v55  }
0x122: {  	v3 =	vor.u32 v3, v4  }
0x123: {  	v4 =	vperm.xlane v3, v0;
	_ =	sdelay $0x1  }
0x124: {  	v3 =	vperm.xlane v3, v2;
	v4 =	vadd.s32 v1, v4;
	_ =	sdelay $0x1  }
0x125: {  	v3 =	vadd.s32 v1, v3;
	_ =	sdelay $0x2  }
0x126: {  	[tilespmem:s30], [sflag:$0x1] =	stream.indirect_vreg.gather [hbm4b:s1+s3], $0x80, v4, vm0, $0xb8;
	[tilespmem:$0x18200] =	vst v63  }
0x127: {  	_ = 	snop  }
0x128: {  	[tilespmem:s31], [sflag:$0x1] =	stream.indirect_vreg.gather [hbm4b:s1+s3], $0x80, v3, vm0, $0xb8;
	[tilespmem:$0x18200] =	vst v63  }
0x129: {  	_ =	swait.ge [sflag:s23], $0x8000  }
0x12a: {  	[sflag:s23] =	ssyncset.done $0x0  }
0x12b: {  	s25 =	rddreg [dreg:$0x5];
	[sflag:s23] =	ssyncadd.s32 $0xFFFF8000  }
0x12c: {  	[hbm4b:s25+s3] =	stream.linear.scatter [tilespmem:s22], [sflag:$0x2], $0x8000, $0x38;
	[tilespmem:$0x18200] =	vst v63  }
0x12d: {  	_ =	swait.ge [sflag:s0], $0x8000  }
0x12e: {  	[sflag:s0] =	ssyncset.done $0x0  }
0x12f: {  	[sflag:s0] =	ssyncadd.s32 $0xFFFF8000  }
0x130: {  	v3 =	vld [tilespmem:$0x180];
	_ =	sdelay $0x4  }
0x131: {  	v56 =	vshll.u32 v3, $0x1  }
0x132: {  	v3 =	vand.u32 $0x7, v3;
	v4 =	vand.u32 $0xFFFFFFF0, v56  }
0x133: {  	v3 =	vor.u32 v3, v4  }
0x134: {  	v4 =	vperm.xlane v3, v0;
	_ =	sdelay $0x1  }
0x135: {  	v3 =	vperm.xlane v3, v2;
	v4 =	vadd.s32 v1, v4;
	_ =	sdelay $0x1  }
0x136: {  	v3 =	vadd.s32 v1, v3;
	_ =	sdelay $0x2  }
0x137: {  	[tilespmem:s6], [sflag:$0x1] =	stream.indirect_vreg.gather [hbm4b:s1+s3], $0x80, v4, vm0, $0xb8;
	[tilespmem:$0x18200] =	vst v63  }
0x138: {  	_ = 	snop  }
0x139: {  	[tilespmem:s7], [sflag:$0x1] =	stream.indirect_vreg.gather [hbm4b:s1+s3], $0x80, v3, vm0, $0xb8;
	[tilespmem:$0x18200] =	vst v63  }
0x13a: {  	v3 =	vld [tilespmem:$0x190];
	_ =	sdelay $0x4  }
0x13b: {  	v57 =	vshll.u32 v3, $0x1  }
0x13c: {  	v3 =	vand.u32 $0x7, v3;
	v4 =	vand.u32 $0xFFFFFFF0, v57  }
0x13d: {  	v3 =	vor.u32 v3, v4  }
0x13e: {  	v4 =	vperm.xlane v3, v0;
	_ =	sdelay $0x1  }
0x13f: {  	v3 =	vperm.xlane v3, v2;
	v4 =	vadd.s32 v1, v4;
	_ =	sdelay $0x1  }
0x140: {  	v3 =	vadd.s32 v1, v3;
	_ =	sdelay $0x2  }
0x141: {  	[tilespmem:s8], [sflag:$0x1] =	stream.indirect_vreg.gather [hbm4b:s1+s3], $0x80, v4, vm0, $0xb8;
	[tilespmem:$0x18200] =	vst v63  }
0x142: {  	_ = 	snop  }
0x143: {  	[tilespmem:s9], [sflag:$0x1] =	stream.indirect_vreg.gather [hbm4b:s1+s3], $0x80, v3, vm0, $0xb8;
	[tilespmem:$0x18200] =	vst v63  }
0x144: {  	v3 =	vld [tilespmem:$0x1A0];
	_ =	sdelay $0x4  }
0x145: {  	v58 =	vshll.u32 v3, $0x1  }
0x146: {  	v3 =	vand.u32 $0x7, v3;
	v4 =	vand.u32 $0xFFFFFFF0, v58  }
0x147: {  	v3 =	vor.u32 v3, v4  }
0x148: {  	v4 =	vperm.xlane v3, v0;
	_ =	sdelay $0x1  }
0x149: {  	v3 =	vperm.xlane v3, v2;
	v4 =	vadd.s32 v1, v4;
	_ =	sdelay $0x1  }
0x14a: {  	v3 =	vadd.s32 v1, v3;
	_ =	sdelay $0x2  }
0x14b: {  	[tilespmem:s10], [sflag:$0x1] =	stream.indirect_vreg.gather [hbm4b:s1+s3], $0x80, v4, vm0, $0xb8;
	[tilespmem:$0x18200] =	vst v63  }
0x14c: {  	_ = 	snop  }
0x14d: {  	[tilespmem:s11], [sflag:$0x1] =	stream.indirect_vreg.gather [hbm4b:s1+s3], $0x80, v3, vm0, $0xb8;
	[tilespmem:$0x18200] =	vst v63  }
0x14e: {  	v3 =	vld [tilespmem:$0x1B0];
	_ =	sdelay $0x4  }
0x14f: {  	v59 =	vshll.u32 v3, $0x1  }
0x150: {  	v3 =	vand.u32 $0x7, v3;
	v4 =	vand.u32 $0xFFFFFFF0, v59  }
0x151: {  	v3 =	vor.u32 v3, v4  }
0x152: {  	v4 =	vperm.xlane v3, v0;
	_ =	sdelay $0x1  }
0x153: {  	v3 =	vperm.xlane v3, v2;
	v4 =	vadd.s32 v1, v4;
	_ =	sdelay $0x1  }
0x154: {  	v3 =	vadd.s32 v1, v3;
	_ =	sdelay $0x2  }
0x155: {  	[tilespmem:s12], [sflag:$0x1] =	stream.indirect_vreg.gather [hbm4b:s1+s3], $0x80, v4, vm0, $0xb8;
	[tilespmem:$0x18200] =	vst v63  }
0x156: {  	_ = 	snop  }
0x157: {  	[tilespmem:s13], [sflag:$0x1] =	stream.indirect_vreg.gather [hbm4b:s1+s3], $0x80, v3, vm0, $0xb8;
	[tilespmem:$0x18200] =	vst v63  }
0x158: {  	v3 =	vld [tilespmem:$0x1C0];
	_ =	sdelay $0x4  }
0x159: {  	v60 =	vshll.u32 v3, $0x1  }
0x15a: {  	v3 =	vand.u32 $0x7, v3;
	v4 =	vand.u32 $0xFFFFFFF0, v60  }
0x15b: {  	v3 =	vor.u32 v3, v4  }
0x15c: {  	v4 =	vperm.xlane v3, v0;
	_ =	sdelay $0x1  }
0x15d: {  	v3 =	vperm.xlane v3, v2;
	v4 =	vadd.s32 v1, v4;
	_ =	sdelay $0x1  }
0x15e: {  	v3 =	vadd.s32 v1, v3;
	_ =	sdelay $0x2  }
0x15f: {  	[tilespmem:s14], [sflag:$0x1] =	stream.indirect_vreg.gather [hbm4b:s1+s3], $0x80, v4, vm0, $0xb8;
	[tilespmem:$0x18200] =	vst v63  }
0x160: {  	_ = 	snop  }
0x161: {  	[tilespmem:s15], [sflag:$0x1] =	stream.indirect_vreg.gather [hbm4b:s1+s3], $0x80, v3, vm0, $0xb8;
	[tilespmem:$0x18200] =	vst v63  }
0x162: {  	v3 =	vld [tilespmem:$0x1D0];
	_ =	sdelay $0x4  }
0x163: {  	v61 =	vshll.u32 v3, $0x1  }
0x164: {  	v3 =	vand.u32 $0x7, v3;
	v4 =	vand.u32 $0xFFFFFFF0, v61  }
0x165: {  	v3 =	vor.u32 v3, v4  }
0x166: {  	v4 =	vperm.xlane v3, v0;
	_ =	sdelay $0x1  }
0x167: {  	v3 =	vperm.xlane v3, v2;
	v4 =	vadd.s32 v1, v4;
	_ =	sdelay $0x1  }
0x168: {  	v3 =	vadd.s32 v1, v3;
	_ =	sdelay $0x2  }
0x169: {  	[tilespmem:s16], [sflag:$0x1] =	stream.indirect_vreg.gather [hbm4b:s1+s3], $0x80, v4, vm0, $0xb8;
	[tilespmem:$0x18200] =	vst v63  }
0x16a: {  	_ = 	snop  }
0x16b: {  	[tilespmem:s17], [sflag:$0x1] =	stream.indirect_vreg.gather [hbm4b:s1+s3], $0x80, v3, vm0, $0xb8;
	[tilespmem:$0x18200] =	vst v63  }
0x16c: {  	v3 =	vld [tilespmem:$0x1E0];
	_ =	sdelay $0x4  }
0x16d: {  	v62 =	vshll.u32 v3, $0x1  }
0x16e: {  	v3 =	vand.u32 $0x7, v3;
	v4 =	vand.u32 $0xFFFFFFF0, v62  }
0x16f: {  	v3 =	vor.u32 v3, v4  }
0x170: {  	v4 =	vperm.xlane v3, v0;
	_ =	sdelay $0x1  }
0x171: {  	v3 =	vperm.xlane v3, v2;
	v4 =	vadd.s32 v1, v4;
	_ =	sdelay $0x1  }
0x172: {  	v3 =	vadd.s32 v1, v3;
	_ =	sdelay $0x2  }
0x173: {  	[tilespmem:s18], [sflag:$0x1] =	stream.indirect_vreg.gather [hbm4b:s1+s3], $0x80, v4, vm0, $0xb8;
	[tilespmem:$0x18200] =	vst v63  }
0x174: {  	_ = 	snop  }
0x175: {  	[tilespmem:s19], [sflag:$0x1] =	stream.indirect_vreg.gather [hbm4b:s1+s3], $0x80, v3, vm0, $0xb8;
	[tilespmem:$0x18200] =	vst v63  }
0x176: {  	v3 =	vld [tilespmem:$0x1F0];
	_ =	sdelay $0x4  }
0x177: {  	v63 =	vshll.u32 v3, $0x1  }
0x178: {  	v3 =	vand.u32 $0x7, v3;
	v4 =	vand.u32 $0xFFFFFFF0, v63  }
0x179: {  	v3 =	vor.u32 v3, v4  }
0x17a: {  	v4 =	vperm.xlane v3, v0;
	_ =	sdelay $0x1  }
0x17b: {  	v3 =	vperm.xlane v3, v2;
	v4 =	vadd.s32 v1, v4;
	_ =	sdelay $0x1  }
0x17c: {  	v3 =	vadd.s32 v1, v3;
	_ =	sdelay $0x2  }
0x17d: {  	[tilespmem:s20], [sflag:$0x1] =	stream.indirect_vreg.gather [hbm4b:s1+s3], $0x80, v4, vm0, $0xb8;
	[tilespmem:$0x18200] =	vst v63  }
0x17e: {  	_ = 	snop  }
0x17f: {  	[tilespmem:s21], [sflag:$0x1] =	stream.indirect_vreg.gather [hbm4b:s1+s3], $0x80, v3, vm0, $0xb8;
	[tilespmem:$0x18200] =	vst v63  }
0x180: {  	_ =	swait.ge [sflag:s23], $0x8000  }
0x181: {  	[sflag:s23] =	ssyncset.done $0x0  }
0x182: {  	s25 =	rddreg [dreg:$0x6];
	[sflag:s23] =	ssyncadd.s32 $0xFFFF8000  }
0x183: {  	[hbm4b:s25+s3] =	stream.linear.scatter [tilespmem:s24], [sflag:$0x2], $0x8000, $0x38;
	[tilespmem:$0x18200] =	vst v63  }
0x184: {  	_ =	swait.ge [sflag:s23], $0x8000  }
0x185: {  	[sflag:s23] =	ssyncset.done $0x0  }
0x186: {  	s25 =	rddreg [dreg:$0x7];
	[sflag:s23] =	ssyncadd.s32 $0xFFFF8000  }
0x187: {  	[hbm4b:s25+s3] =	stream.linear.scatter [tilespmem:s6], [sflag:$0x2], $0x8000, $0x38;
	[tilespmem:$0x18200] =	vst v63  }
0x188: {  	_ =	swait.ge [sflag:s0], $0x8000  }
0x189: {  	[sflag:s0] =	ssyncset.done $0x0  }
0x18a: {  	[sflag:s0] =	ssyncadd.s32 $0xFFFF8000  }
0x18b: {  	p0 =	sne.s32 s4, $0x1;
	_ =	swait.ge [sflag:s0], $0x8000  }
.Ltmp0:
0x18c: {  	[sflag:s0] =	ssyncset.done $0x0;
	(pc) =	sbr.rel @p0 .LBB2_1-.Ltmp0, $4  }
0x18d: {  	[sflag:s0] =	ssyncadd.s32 $0xFFFF8000  }
0x18e: {  	_ =	swait.ge [sflag:s0], $0x8000  }
0x18f: {  	[sflag:s0] =	ssyncset.done $0x0  }
0x190: {  	s4 =	sadd.s32 $0xFFFFFFFF, s4;
	[sflag:s0] =	ssyncadd.s32 $0xFFFF8000  }
0x191: {  	_ =	sfence.sel $0x180000  }
0x192: {  	[bflag:$0x0] =	sbarrier.arrive $0xFFFF  }
0x193: {  	_ =	strace $0x90000047  }
0x194: {  	s0 =	stileid.u32;
	[bflag:$0x2] =	sbarrier.arrive $0xFFFF  }
0x195: {  	p0 =	sne.s32 s0, $0x0;
	s0 =	rddreg [dreg:$0x2]  }
0x196: {  	s0 =	sadd.s32 @!p0 $0x100000, s0  }
0x197: {  	[sflag:s0] =	ssyncadd.tile.s32 @!p0 $0x1;
	_ =	shalt  }
.Lfunc_end2:
_tile_overlayer_lowered:
.L_overlay_start_2:
0x198: {  	(tag) =	ssettag $0x2  }
0x199: {  	s0 =	rddreg [dreg:$0x0];
	s2 =	stileid.u32  }
0x19a: {  	s1 =	rddreg [dreg:$0x1];
	p0 =	sne.s32 s2, $0x0  }
0x19b: {  	s3 =	rddreg [dreg:$0x2];
	[bflag:$0x3] =	sbarrier.arrive $0xFFFF;
	s2 =	simm.s32 @!p0 $0x1C03  }
0x19c: {  	[timem:s3], [sflag:s2] =	dma.local @!p0 [hbm:s0], s1  }
0x19d: {  	s0 =	simm.s32 @!p0 $0x3  }
0x19e: {  	_ =	swait.ge @!p0 [sflag:s0], s1  }
0x19f: {  	s1 =	ssub.s32 @!p0 $0x0, s1;
	[sflag:s0] =	ssyncset.done @!p0 $0x0  }
0x1a0: {  	[sflag:s0] =	ssyncadd.s32 @!p0 s1  }
0x1a1: {  	[bflag:$0x3] =	sbarrier.arrive $0xFFFF  }
0x1a2: {  	_ =	shalt  }

</sc_bundles>
